<compile_context>
chip_gen: v7x
topology: tpu7x:2x2x1
jax: 0.10.2.dev20260603
libtpu: 0.0.44.dev20260713+nightly
codegen_flags: <defaults>
</compile_context>

<pallas_src>
import functools

import jax
import jax.numpy as jnp
from jax import lax
from jax.experimental import pallas as pl
from jax.experimental.pallas import tpu as pltpu
from jax.experimental.pallas import tpu_sc as plsc

VOCAB = 1000000
EMBED = 64
NW = 32
GR = 256
CH = 128


def _body(tot, idx_hbm, table_hbm, out_hbm, idx0, idx1, rows0, rows1, cb0, gsem):
    pw = tot // NW
    ng = pw // GR
    wid = lax.axis_index("s") * 2 + lax.axis_index("c")
    row0 = wid * pw

    def fire(g, ibuf, rbuf):
        pltpu.sync_copy(idx_hbm.at[pl.ds(row0 + g * GR, GR)], ibuf)
        for j in range(GR // CH):
            pltpu.async_copy(
                table_hbm.at[ibuf.at[pl.ds(j * CH, CH)]],
                rbuf.at[pl.ds(j * CH, CH)],
                gsem,
            )

    def drain(rbuf):
        pltpu.make_async_copy(table_hbm.at[pl.ds(0, GR)], rbuf, gsem).wait()

    def store(g, rbuf, cbuf):
        @plsc.parallel_loop(0, GR, unroll=8)
        def _(r):
            for fg in range(4):
                cbuf[r, pl.ds(fg * 16, 16)] = rbuf[r, pl.ds(fg * 16, 16)]

        pltpu.sync_copy(cbuf, out_hbm.at[pl.ds(row0 + g * GR, GR)])

    fire(0, idx0, rows0)

    def body(p, carry):
        g0 = p * 2
        fire(g0 + 1, idx1, rows1)
        drain(rows0)
        store(g0, rows0, cb0)
        fire(g0 + 2, idx0, rows0)
        drain(rows1)
        store(g0 + 1, rows1, cb0)
        return carry

    lax.fori_loop(0, ng // 2 - 1, body, 0, unroll=False)

    g0 = ng - 2
    fire(g0 + 1, idx1, rows1)
    drain(rows0)
    store(g0, rows0, cb0)
    drain(rows1)
    store(g0 + 1, rows1, cb0)


def kernel(indices, table):
    b, s = indices.shape
    tot = b * s
    idx_flat = indices.astype(jnp.int32).reshape(tot)
    table_p = jnp.pad(table, ((0, 0), (0, 128 - EMBED)))

    grid_kernel = pl.kernel(
        functools.partial(_body, tot),
        out_type=jax.ShapeDtypeStruct((tot, EMBED), jnp.float32),
        mesh=plsc.VectorSubcoreMesh(core_axis_name="c", subcore_axis_name="s"),
        scratch_types=[
            pltpu.VMEM((GR,), jnp.int32),
            pltpu.VMEM((GR,), jnp.int32),
            pltpu.VMEM((GR, 128), jnp.float32),
            pltpu.VMEM((GR, 128), jnp.float32),
            pltpu.VMEM((GR, EMBED), jnp.float32),
            pltpu.SemaphoreType.DMA,
        ],
        compiler_params=pltpu.CompilerParams(needs_layout_passes=False),
    )
    out = grid_kernel(idx_flat, table_p)
    return out.reshape(b, s, EMBED)

# --- scband reference (transcript-rebuilt; emitter-appended) ---
"""Pipeline reference for scband-word-embedding-14946486190614 (READ-ONLY COPY).

The authoritative reference and input builder live on the scoring server;
editing this copy changes nothing except your own understanding.
"""

import jax, jax.numpy as jnp
import numpy as np

VOCAB = 1000000
EMBED_DIM = 64
BATCH = 4096
SEQ = 200

def setup_inputs(seed: int = 0) -> dict:
    key = jax.random.key(seed)
    k_idx, k_tab = jax.random.split(key)
    indices = jax.random.randint(k_idx, (BATCH, SEQ), 0, VOCAB, dtype=jnp.int64 if jax.config.jax_enable_x64 else jnp.int32)
    table = jax.random.normal(k_tab, (VOCAB, EMBED_DIM), dtype=jnp.float32) * 0.02
    return {"indices": indices, "table": table}

def reference(indices, table):
    # Faithful translation of nn.Embedding lookup inside WordEmbedding.gen_x_batch
    # (trainable branch): val_inp_var = self.embedding(val_tok_var)
    val_inp = jnp.take(table, indices, axis=0)  # [B, L, N_word]
    return val_inp

if __name__ == "__main__":
    import jax
    _d = setup_inputs()
    print(jax.jit(kernel)(*tuple(_d.values())))

</pallas_src>

<mosaic_0001>
#map = affine_map<(d0, d1) -> (0)>
#map1 = affine_map<(d0, d1) -> (0, 0)>
module attributes {stable_mosaic.version = 14 : i64} {
  func.func @_body(%arg0: i32, %arg1: i32, %arg2: memref<819200xi32, #tpu.memory_space<hbm>>, %arg3: memref<1000000x128xf32, #tpu.memory_space<hbm>>, %arg4: memref<819200x64xf32, #tpu.memory_space<hbm>>, %arg5: memref<256xi32, #tpu.memory_space<vmem>>, %arg6: memref<256xi32, #tpu.memory_space<vmem>>, %arg7: memref<256x128xf32, #tpu.memory_space<vmem>>, %arg8: memref<256x128xf32, #tpu.memory_space<vmem>>, %arg9: memref<256x64xf32, #tpu.memory_space<vmem>>, %arg10: memref<!tpu.dma_semaphore, #tpu.memory_space<semaphore_mem>>) attributes {dimension_semantics = [#tpu.dimension_semantics<core_parallel>, #tpu.dimension_semantics<subcore_parallel>], iteration_bounds = array<i64: 2, 16>, scalar_prefetch = 0 : i64, scratch_operands = 6 : i64, tpu.core_type = #tpu.core_type<sc_vector_subcore>, window_params = [{transform_indices = #map}, {transform_indices = #map1}, {transform_indices = #map1}]} {
    %mul3A = arith.constant 2 : i32
    %mul3A_0 = arith.muli %arg1, %mul3A : i32
    %add3A = arith.addi %mul3A_0, %arg0 : i32
    %mul3A_1 = arith.constant 25600 : i32
    %mul3A_2 = arith.muli %add3A, %mul3A_1 : i32
    %add3A_3 = arith.constant 0 : i32
    %add3A_4 = arith.addi %mul3A_2, %add3A_3 : i32
    "tpu.region"() ({
      %run_scoped3A = tpu.sem_alloc : memref<!tpu.dma_semaphore, #tpu.memory_space<semaphore_mem>>
      %dma_start3A_63 = tpu.memref_slice %arg2[%add3A_4] : memref<819200xi32, #tpu.memory_space<hbm>> -> memref<256xi32, #tpu.memory_space<hbm>>
      %dma_start3A_64 = tpu.memref_slice %arg2[%add3A_4] : memref<819200xi32, #tpu.memory_space<hbm>> -> memref<256xi32, #tpu.memory_space<hbm>>
      tpu.enqueue_dma source(%dma_start3A_64 : memref<256xi32, #tpu.memory_space<hbm>>) target(%arg5 : memref<256xi32, #tpu.memory_space<vmem>>) target_semaphore(%run_scoped3A : memref<!tpu.dma_semaphore, #tpu.memory_space<semaphore_mem>>)
      %dma_wait3A_65 = tpu.memref_slice %arg2[%add3A_4] : memref<819200xi32, #tpu.memory_space<hbm>> -> memref<256xi32, #tpu.memory_space<hbm>>
      %dma_wait3A_66 = tpu.memref_slice %arg2[%add3A_4] : memref<819200xi32, #tpu.memory_space<hbm>> -> memref<256xi32, #tpu.memory_space<hbm>>
      tpu.wait_dma2 semaphore(%run_scoped3A : memref<!tpu.dma_semaphore, #tpu.memory_space<semaphore_mem>>) src(%dma_wait3A_66 : memref<256xi32, #tpu.memory_space<hbm>>) dst(%arg5 : memref<256xi32, #tpu.memory_space<vmem>>)
      tpu.yield
    }) : () -> ()
    %dma_start3A = arith.constant 0 : i32
    %dma_start3A_5 = arith.constant 0 : i32
    %dma_start3A_6 = tpu.memref_slice %arg7[%dma_start3A, %dma_start3A_5] : memref<256x128xf32, #tpu.memory_space<vmem>> -> memref<128x128xf32, #tpu.memory_space<vmem>>
    %dma_start3A_7 = arith.constant 0 : i32
    %dma_start3A_8 = tpu.memref_slice %arg5[%dma_start3A_7] : memref<256xi32, #tpu.memory_space<vmem>> -> memref<128xi32, #tpu.memory_space<vmem>>
    %dma_start3A_9 = arith.constant 0 : i32
    %dma_start3A_10 = arith.constant 0 : i32
    %dma_start3A_11 = tpu.memref_slice %arg3[%dma_start3A_9, %dma_start3A_10] : memref<1000000x128xf32, #tpu.memory_space<hbm>> -> memref<1000000x128xf32, #tpu.memory_space<hbm>>
    tpu.enqueue_indirect_dma source(%dma_start3A_11 : memref<1000000x128xf32, #tpu.memory_space<hbm>>) target(%dma_start3A_6 : memref<128x128xf32, #tpu.memory_space<vmem>>) offsets(%dma_start3A_8 : memref<128xi32, #tpu.memory_space<vmem>>) semaphore(%arg10 : memref<!tpu.dma_semaphore, #tpu.memory_space<semaphore_mem>>)
    %dma_start3A_12 = arith.constant 128 : i32
    %dma_start3A_13 = arith.constant 0 : i32
    %dma_start3A_14 = tpu.memref_slice %arg7[%dma_start3A_12, %dma_start3A_13] : memref<256x128xf32, #tpu.memory_space<vmem>> -> memref<128x128xf32, #tpu.memory_space<vmem>>
    %dma_start3A_15 = arith.constant 128 : i32
    %dma_start3A_16 = tpu.memref_slice %arg5[%dma_start3A_15] : memref<256xi32, #tpu.memory_space<vmem>> -> memref<128xi32, #tpu.memory_space<vmem>>
    %dma_start3A_17 = arith.constant 0 : i32
    %dma_start3A_18 = arith.constant 0 : i32
    %dma_start3A_19 = tpu.memref_slice %arg3[%dma_start3A_17, %dma_start3A_18] : memref<1000000x128xf32, #tpu.memory_space<hbm>> -> memref<1000000x128xf32, #tpu.memory_space<hbm>>
    tpu.enqueue_indirect_dma source(%dma_start3A_19 : memref<1000000x128xf32, #tpu.memory_space<hbm>>) target(%dma_start3A_14 : memref<128x128xf32, #tpu.memory_space<vmem>>) offsets(%dma_start3A_16 : memref<128xi32, #tpu.memory_space<vmem>>) semaphore(%arg10 : memref<!tpu.dma_semaphore, #tpu.memory_space<semaphore_mem>>)
    %scan3A = arith.constant 0 : i32
    %scan3A_20 = arith.constant 0 : i32
    %scan3A_21 = arith.constant 49 : i32
    %scan3A_22 = arith.addi %scan3A_20, %scan3A_21 : i32
    %scan3A_23 = arith.constant 1 : i32
    scf.for %scan3A_63 = %scan3A_20 to %scan3A_22 step %scan3A_23  : i32 {
      %mul3A_64 = arith.constant 2 : i32
      %mul3A_65 = arith.muli %scan3A_63, %mul3A_64 : i32
      %add3A_66 = arith.constant 1 : i32
      %add3A_67 = arith.addi %mul3A_65, %add3A_66 : i32
      %mul3A_68 = arith.constant 256 : i32
      %mul3A_69 = arith.muli %add3A_67, %mul3A_68 : i32
      %add3A_70 = arith.addi %mul3A_2, %mul3A_69 : i32
      "tpu.region"() ({
        %run_scoped3A = tpu.sem_alloc : memref<!tpu.dma_semaphore, #tpu.memory_space<semaphore_mem>>
        %dma_start3A_134 = tpu.memref_slice %arg2[%add3A_70] : memref<819200xi32, #tpu.memory_space<hbm>> -> memref<256xi32, #tpu.memory_space<hbm>>
        %dma_start3A_135 = tpu.memref_slice %arg2[%add3A_70] : memref<819200xi32, #tpu.memory_space<hbm>> -> memref<256xi32, #tpu.memory_space<hbm>>
        tpu.enqueue_dma source(%dma_start3A_135 : memref<256xi32, #tpu.memory_space<hbm>>) target(%arg6 : memref<256xi32, #tpu.memory_space<vmem>>) target_semaphore(%run_scoped3A : memref<!tpu.dma_semaphore, #tpu.memory_space<semaphore_mem>>)
        %dma_wait3A_136 = tpu.memref_slice %arg2[%add3A_70] : memref<819200xi32, #tpu.memory_space<hbm>> -> memref<256xi32, #tpu.memory_space<hbm>>
        %dma_wait3A_137 = tpu.memref_slice %arg2[%add3A_70] : memref<819200xi32, #tpu.memory_space<hbm>> -> memref<256xi32, #tpu.memory_space<hbm>>
        tpu.wait_dma2 semaphore(%run_scoped3A : memref<!tpu.dma_semaphore, #tpu.memory_space<semaphore_mem>>) src(%dma_wait3A_137 : memref<256xi32, #tpu.memory_space<hbm>>) dst(%arg6 : memref<256xi32, #tpu.memory_space<vmem>>)
        tpu.yield
      }) : () -> ()
      %dma_start3A_71 = arith.constant 0 : i32
      %dma_start3A_72 = arith.constant 0 : i32
      %dma_start3A_73 = tpu.memref_slice %arg8[%dma_start3A_71, %dma_start3A_72] : memref<256x128xf32, #tpu.memory_space<vmem>> -> memref<128x128xf32, #tpu.memory_space<vmem>>
      %dma_start3A_74 = arith.constant 0 : i32
      %dma_start3A_75 = tpu.memref_slice %arg6[%dma_start3A_74] : memref<256xi32, #tpu.memory_space<vmem>> -> memref<128xi32, #tpu.memory_space<vmem>>
      %dma_start3A_76 = arith.constant 0 : i32
      %dma_start3A_77 = arith.constant 0 : i32
      %dma_start3A_78 = tpu.memref_slice %arg3[%dma_start3A_76, %dma_start3A_77] : memref<1000000x128xf32, #tpu.memory_space<hbm>> -> memref<1000000x128xf32, #tpu.memory_space<hbm>>
      tpu.enqueue_indirect_dma source(%dma_start3A_78 : memref<1000000x128xf32, #tpu.memory_space<hbm>>) target(%dma_start3A_73 : memref<128x128xf32, #tpu.memory_space<vmem>>) offsets(%dma_start3A_75 : memref<128xi32, #tpu.memory_space<vmem>>) semaphore(%arg10 : memref<!tpu.dma_semaphore, #tpu.memory_space<semaphore_mem>>)
      %dma_start3A_79 = arith.constant 128 : i32
      %dma_start3A_80 = arith.constant 0 : i32
      %dma_start3A_81 = tpu.memref_slice %arg8[%dma_start3A_79, %dma_start3A_80] : memref<256x128xf32, #tpu.memory_space<vmem>> -> memref<128x128xf32, #tpu.memory_space<vmem>>
      %dma_start3A_82 = arith.constant 128 : i32
      %dma_start3A_83 = tpu.memref_slice %arg6[%dma_start3A_82] : memref<256xi32, #tpu.memory_space<vmem>> -> memref<128xi32, #tpu.memory_space<vmem>>
      %dma_start3A_84 = arith.constant 0 : i32
      %dma_start3A_85 = arith.constant 0 : i32
      %dma_start3A_86 = tpu.memref_slice %arg3[%dma_start3A_84, %dma_start3A_85] : memref<1000000x128xf32, #tpu.memory_space<hbm>> -> memref<1000000x128xf32, #tpu.memory_space<hbm>>
      tpu.enqueue_indirect_dma source(%dma_start3A_86 : memref<1000000x128xf32, #tpu.memory_space<hbm>>) target(%dma_start3A_81 : memref<128x128xf32, #tpu.memory_space<vmem>>) offsets(%dma_start3A_83 : memref<128xi32, #tpu.memory_space<vmem>>) semaphore(%arg10 : memref<!tpu.dma_semaphore, #tpu.memory_space<semaphore_mem>>)
      %dma_wait3A_87 = arith.constant 0 : i32
      %dma_wait3A_88 = arith.constant 0 : i32
      %dma_wait3A_89 = tpu.memref_slice %arg3[%dma_wait3A_87, %dma_wait3A_88] : memref<1000000x128xf32, #tpu.memory_space<hbm>> -> memref<256x128xf32, #tpu.memory_space<hbm>>
      %dma_wait3A_90 = arith.constant 0 : i32
      %dma_wait3A_91 = arith.constant 0 : i32
      %dma_wait3A_92 = tpu.memref_slice %arg3[%dma_wait3A_90, %dma_wait3A_91] : memref<1000000x128xf32, #tpu.memory_space<hbm>> -> memref<256x128xf32, #tpu.memory_space<hbm>>
      tpu.wait_dma2 semaphore(%arg10 : memref<!tpu.dma_semaphore, #tpu.memory_space<semaphore_mem>>) src(%dma_wait3A_92 : memref<256x128xf32, #tpu.memory_space<hbm>>) dst(%arg7 : memref<256x128xf32, #tpu.memory_space<vmem>>)
      %parallel_loop3A_93 = arith.constant 0 : i32
      %parallel_loop3A_94 = arith.constant 256 : i32
      %parallel_loop3A_95 = arith.constant 1 : i32
      scf.for %parallel_loop3A_134 = %parallel_loop3A_93 to %parallel_loop3A_94 step %parallel_loop3A_95  : i32 {
        %parallel_loop3A_135 = arith.index_cast %parallel_loop3A_134 : i32 to index
        %parallel_loop3A_136 = arith.constant 0 : index
        %parallel_loop3A_137 = tpu.vector_load %arg7[%parallel_loop3A_135, %parallel_loop3A_136] {strides = array<i32>} : memref<256x128xf32, #tpu.memory_space<vmem>>, vector<16xf32>,
        %parallel_loop3A_138 = arith.index_cast %parallel_loop3A_134 : i32 to index
        %parallel_loop3A_139 = arith.constant 0 : index
        %parallel_loop3A_140 = tpu.vector_load %arg9[%parallel_loop3A_138, %parallel_loop3A_139] {strides = array<i32>} : memref<256x64xf32, #tpu.memory_space<vmem>>, vector<16xf32>,
        tpu.vector_store %arg9[%parallel_loop3A_138, %parallel_loop3A_139], %parallel_loop3A_137 {strides = array<i32>} : memref<256x64xf32, #tpu.memory_space<vmem>>, vector<16xf32>,
        %parallel_loop3A_141 = arith.index_cast %parallel_loop3A_134 : i32 to index
        %parallel_loop3A_142 = arith.constant 16 : index
        %parallel_loop3A_143 = tpu.vector_load %arg7[%parallel_loop3A_141, %parallel_loop3A_142] {strides = array<i32>} : memref<256x128xf32, #tpu.memory_space<vmem>>, vector<16xf32>,
        %parallel_loop3A_144 = arith.index_cast %parallel_loop3A_134 : i32 to index
        %parallel_loop3A_145 = arith.constant 16 : index
        %parallel_loop3A_146 = tpu.vector_load %arg9[%parallel_loop3A_144, %parallel_loop3A_145] {strides = array<i32>} : memref<256x64xf32, #tpu.memory_space<vmem>>, vector<16xf32>,
        tpu.vector_store %arg9[%parallel_loop3A_144, %parallel_loop3A_145], %parallel_loop3A_143 {strides = array<i32>} : memref<256x64xf32, #tpu.memory_space<vmem>>, vector<16xf32>,
        %parallel_loop3A_147 = arith.index_cast %parallel_loop3A_134 : i32 to index
        %parallel_loop3A_148 = arith.constant 32 : index
        %parallel_loop3A_149 = tpu.vector_load %arg7[%parallel_loop3A_147, %parallel_loop3A_148] {strides = array<i32>} : memref<256x128xf32, #tpu.memory_space<vmem>>, vector<16xf32>,
        %parallel_loop3A_150 = arith.index_cast %parallel_loop3A_134 : i32 to index
        %parallel_loop3A_151 = arith.constant 32 : index
        %parallel_loop3A_152 = tpu.vector_load %arg9[%parallel_loop3A_150, %parallel_loop3A_151] {strides = array<i32>} : memref<256x64xf32, #tpu.memory_space<vmem>>, vector<16xf32>,
        tpu.vector_store %arg9[%parallel_loop3A_150, %parallel_loop3A_151], %parallel_loop3A_149 {strides = array<i32>} : memref<256x64xf32, #tpu.memory_space<vmem>>, vector<16xf32>,
        %parallel_loop3A_153 = arith.index_cast %parallel_loop3A_134 : i32 to index
        %parallel_loop3A_154 = arith.constant 48 : index
        %parallel_loop3A_155 = tpu.vector_load %arg7[%parallel_loop3A_153, %parallel_loop3A_154] {strides = array<i32>} : memref<256x128xf32, #tpu.memory_space<vmem>>, vector<16xf32>,
        %parallel_loop3A_156 = arith.index_cast %parallel_loop3A_134 : i32 to index
        %parallel_loop3A_157 = arith.constant 48 : index
        %parallel_loop3A_158 = tpu.vector_load %arg9[%parallel_loop3A_156, %parallel_loop3A_157] {strides = array<i32>} : memref<256x64xf32, #tpu.memory_space<vmem>>, vector<16xf32>,
        tpu.vector_store %arg9[%parallel_loop3A_156, %parallel_loop3A_157], %parallel_loop3A_155 {strides = array<i32>} : memref<256x64xf32, #tpu.memory_space<vmem>>, vector<16xf32>,
      } {sc.loop_unroll_factor = 8 : i64, sc.parallel_access}
      %mul3A_96 = arith.constant 256 : i32
      %mul3A_97 = arith.muli %mul3A_65, %mul3A_96 : i32
      %add3A_98 = arith.addi %mul3A_2, %mul3A_97 : i32
      "tpu.region"() ({
        %run_scoped3A = tpu.sem_alloc : memref<!tpu.dma_semaphore, #tpu.memory_space<semaphore_mem>>
        %dma_start3A_134 = arith.constant 0 : i32
        %dma_start3A_135 = tpu.memref_slice %arg4[%add3A_98, %dma_start3A_134] : memref<819200x64xf32, #tpu.memory_space<hbm>> -> memref<256x64xf32, #tpu.memory_space<hbm>>
        %dma_start3A_136 = arith.constant 0 : i32
        %dma_start3A_137 = tpu.memref_slice %arg4[%add3A_98, %dma_start3A_136] : memref<819200x64xf32, #tpu.memory_space<hbm>> -> memref<256x64xf32, #tpu.memory_space<hbm>>
        tpu.enqueue_dma source(%arg9 : memref<256x64xf32, #tpu.memory_space<vmem>>) target(%dma_start3A_137 : memref<256x64xf32, #tpu.memory_space<hbm>>) target_semaphore(%run_scoped3A : memref<!tpu.dma_semaphore, #tpu.memory_space<semaphore_mem>>)
        %dma_wait3A_138 = arith.constant 0 : i32
        %dma_wait3A_139 = tpu.memref_slice %arg4[%add3A_98, %dma_wait3A_138] : memref<819200x64xf32, #tpu.memory_space<hbm>> -> memref<256x64xf32, #tpu.memory_space<hbm>>
        %dma_wait3A_140 = arith.constant 0 : i32
        %dma_wait3A_141 = tpu.memref_slice %arg4[%add3A_98, %dma_wait3A_140] : memref<819200x64xf32, #tpu.memory_space<hbm>> -> memref<256x64xf32, #tpu.memory_space<hbm>>
        tpu.wait_dma2 semaphore(%run_scoped3A : memref<!tpu.dma_semaphore, #tpu.memory_space<semaphore_mem>>) src(%arg9 : memref<256x64xf32, #tpu.memory_space<vmem>>) dst(%dma_wait3A_141 : memref<256x64xf32, #tpu.memory_space<hbm>>)
        tpu.yield
      }) : () -> ()
      %add3A_99 = arith.constant 2 : i32
      %add3A_100 = arith.addi %mul3A_65, %add3A_99 : i32
      %mul3A_101 = arith.constant 256 : i32
      %mul3A_102 = arith.muli %add3A_100, %mul3A_101 : i32
      %add3A_103 = arith.addi %mul3A_2, %mul3A_102 : i32
      "tpu.region"() ({
        %run_scoped3A = tpu.sem_alloc : memref<!tpu.dma_semaphore, #tpu.memory_space<semaphore_mem>>
        %dma_start3A_134 = tpu.memref_slice %arg2[%add3A_103] : memref<819200xi32, #tpu.memory_space<hbm>> -> memref<256xi32, #tpu.memory_space<hbm>>
        %dma_start3A_135 = tpu.memref_slice %arg2[%add3A_103] : memref<819200xi32, #tpu.memory_space<hbm>> -> memref<256xi32, #tpu.memory_space<hbm>>
        tpu.enqueue_dma source(%dma_start3A_135 : memref<256xi32, #tpu.memory_space<hbm>>) target(%arg5 : memref<256xi32, #tpu.memory_space<vmem>>) target_semaphore(%run_scoped3A : memref<!tpu.dma_semaphore, #tpu.memory_space<semaphore_mem>>)
        %dma_wait3A_136 = tpu.memref_slice %arg2[%add3A_103] : memref<819200xi32, #tpu.memory_space<hbm>> -> memref<256xi32, #tpu.memory_space<hbm>>
        %dma_wait3A_137 = tpu.memref_slice %arg2[%add3A_103] : memref<819200xi32, #tpu.memory_space<hbm>> -> memref<256xi32, #tpu.memory_space<hbm>>
        tpu.wait_dma2 semaphore(%run_scoped3A : memref<!tpu.dma_semaphore, #tpu.memory_space<semaphore_mem>>) src(%dma_wait3A_137 : memref<256xi32, #tpu.memory_space<hbm>>) dst(%arg5 : memref<256xi32, #tpu.memory_space<vmem>>)
        tpu.yield
      }) : () -> ()
      %dma_start3A_104 = arith.constant 0 : i32
      %dma_start3A_105 = arith.constant 0 : i32
      %dma_start3A_106 = tpu.memref_slice %arg7[%dma_start3A_104, %dma_start3A_105] : memref<256x128xf32, #tpu.memory_space<vmem>> -> memref<128x128xf32, #tpu.memory_space<vmem>>
      %dma_start3A_107 = arith.constant 0 : i32
      %dma_start3A_108 = tpu.memref_slice %arg5[%dma_start3A_107] : memref<256xi32, #tpu.memory_space<vmem>> -> memref<128xi32, #tpu.memory_space<vmem>>
      %dma_start3A_109 = arith.constant 0 : i32
      %dma_start3A_110 = arith.constant 0 : i32
      %dma_start3A_111 = tpu.memref_slice %arg3[%dma_start3A_109, %dma_start3A_110] : memref<1000000x128xf32, #tpu.memory_space<hbm>> -> memref<1000000x128xf32, #tpu.memory_space<hbm>>
      tpu.enqueue_indirect_dma source(%dma_start3A_111 : memref<1000000x128xf32, #tpu.memory_space<hbm>>) target(%dma_start3A_106 : memref<128x128xf32, #tpu.memory_space<vmem>>) offsets(%dma_start3A_108 : memref<128xi32, #tpu.memory_space<vmem>>) semaphore(%arg10 : memref<!tpu.dma_semaphore, #tpu.memory_space<semaphore_mem>>)
      %dma_start3A_112 = arith.constant 128 : i32
      %dma_start3A_113 = arith.constant 0 : i32
      %dma_start3A_114 = tpu.memref_slice %arg7[%dma_start3A_112, %dma_start3A_113] : memref<256x128xf32, #tpu.memory_space<vmem>> -> memref<128x128xf32, #tpu.memory_space<vmem>>
      %dma_start3A_115 = arith.constant 128 : i32
      %dma_start3A_116 = tpu.memref_slice %arg5[%dma_start3A_115] : memref<256xi32, #tpu.memory_space<vmem>> -> memref<128xi32, #tpu.memory_space<vmem>>
      %dma_start3A_117 = arith.constant 0 : i32
      %dma_start3A_118 = arith.constant 0 : i32
      %dma_start3A_119 = tpu.memref_slice %arg3[%dma_start3A_117, %dma_start3A_118] : memref<1000000x128xf32, #tpu.memory_space<hbm>> -> memref<1000000x128xf32, #tpu.memory_space<hbm>>
      tpu.enqueue_indirect_dma source(%dma_start3A_119 : memref<1000000x128xf32, #tpu.memory_space<hbm>>) target(%dma_start3A_114 : memref<128x128xf32, #tpu.memory_space<vmem>>) offsets(%dma_start3A_116 : memref<128xi32, #tpu.memory_space<vmem>>) semaphore(%arg10 : memref<!tpu.dma_semaphore, #tpu.memory_space<semaphore_mem>>)
      %dma_wait3A_120 = arith.constant 0 : i32
      %dma_wait3A_121 = arith.constant 0 : i32
      %dma_wait3A_122 = tpu.memref_slice %arg3[%dma_wait3A_120, %dma_wait3A_121] : memref<1000000x128xf32, #tpu.memory_space<hbm>> -> memref<256x128xf32, #tpu.memory_space<hbm>>
      %dma_wait3A_123 = arith.constant 0 : i32
      %dma_wait3A_124 = arith.constant 0 : i32
      %dma_wait3A_125 = tpu.memref_slice %arg3[%dma_wait3A_123, %dma_wait3A_124] : memref<1000000x128xf32, #tpu.memory_space<hbm>> -> memref<256x128xf32, #tpu.memory_space<hbm>>
      tpu.wait_dma2 semaphore(%arg10 : memref<!tpu.dma_semaphore, #tpu.memory_space<semaphore_mem>>) src(%dma_wait3A_125 : memref<256x128xf32, #tpu.memory_space<hbm>>) dst(%arg8 : memref<256x128xf32, #tpu.memory_space<vmem>>)
      %add3A_126 = arith.constant 1 : i32
      %add3A_127 = arith.addi %mul3A_65, %add3A_126 : i32
      %parallel_loop3A_128 = arith.constant 0 : i32
      %parallel_loop3A_129 = arith.constant 256 : i32
      %parallel_loop3A_130 = arith.constant 1 : i32
      scf.for %parallel_loop3A_134 = %parallel_loop3A_128 to %parallel_loop3A_129 step %parallel_loop3A_130  : i32 {
        %parallel_loop3A_135 = arith.index_cast %parallel_loop3A_134 : i32 to index
        %parallel_loop3A_136 = arith.constant 0 : index
        %parallel_loop3A_137 = tpu.vector_load %arg8[%parallel_loop3A_135, %parallel_loop3A_136] {strides = array<i32>} : memref<256x128xf32, #tpu.memory_space<vmem>>, vector<16xf32>,
        %parallel_loop3A_138 = arith.index_cast %parallel_loop3A_134 : i32 to index
        %parallel_loop3A_139 = arith.constant 0 : index
        %parallel_loop3A_140 = tpu.vector_load %arg9[%parallel_loop3A_138, %parallel_loop3A_139] {strides = array<i32>} : memref<256x64xf32, #tpu.memory_space<vmem>>, vector<16xf32>,
        tpu.vector_store %arg9[%parallel_loop3A_138, %parallel_loop3A_139], %parallel_loop3A_137 {strides = array<i32>} : memref<256x64xf32, #tpu.memory_space<vmem>>, vector<16xf32>,
        %parallel_loop3A_141 = arith.index_cast %parallel_loop3A_134 : i32 to index
        %parallel_loop3A_142 = arith.constant 16 : index
        %parallel_loop3A_143 = tpu.vector_load %arg8[%parallel_loop3A_141, %parallel_loop3A_142] {strides = array<i32>} : memref<256x128xf32, #tpu.memory_space<vmem>>, vector<16xf32>,
        %parallel_loop3A_144 = arith.index_cast %parallel_loop3A_134 : i32 to index
        %parallel_loop3A_145 = arith.constant 16 : index
        %parallel_loop3A_146 = tpu.vector_load %arg9[%parallel_loop3A_144, %parallel_loop3A_145] {strides = array<i32>} : memref<256x64xf32, #tpu.memory_space<vmem>>, vector<16xf32>,
        tpu.vector_store %arg9[%parallel_loop3A_144, %parallel_loop3A_145], %parallel_loop3A_143 {strides = array<i32>} : memref<256x64xf32, #tpu.memory_space<vmem>>, vector<16xf32>,
        %parallel_loop3A_147 = arith.index_cast %parallel_loop3A_134 : i32 to index
        %parallel_loop3A_148 = arith.constant 32 : index
        %parallel_loop3A_149 = tpu.vector_load %arg8[%parallel_loop3A_147, %parallel_loop3A_148] {strides = array<i32>} : memref<256x128xf32, #tpu.memory_space<vmem>>, vector<16xf32>,
        %parallel_loop3A_150 = arith.index_cast %parallel_loop3A_134 : i32 to index
        %parallel_loop3A_151 = arith.constant 32 : index
        %parallel_loop3A_152 = tpu.vector_load %arg9[%parallel_loop3A_150, %parallel_loop3A_151] {strides = array<i32>} : memref<256x64xf32, #tpu.memory_space<vmem>>, vector<16xf32>,
        tpu.vector_store %arg9[%parallel_loop3A_150, %parallel_loop3A_151], %parallel_loop3A_149 {strides = array<i32>} : memref<256x64xf32, #tpu.memory_space<vmem>>, vector<16xf32>,
        %parallel_loop3A_153 = arith.index_cast %parallel_loop3A_134 : i32 to index
        %parallel_loop3A_154 = arith.constant 48 : index
        %parallel_loop3A_155 = tpu.vector_load %arg8[%parallel_loop3A_153, %parallel_loop3A_154] {strides = array<i32>} : memref<256x128xf32, #tpu.memory_space<vmem>>, vector<16xf32>,
        %parallel_loop3A_156 = arith.index_cast %parallel_loop3A_134 : i32 to index
        %parallel_loop3A_157 = arith.constant 48 : index
        %parallel_loop3A_158 = tpu.vector_load %arg9[%parallel_loop3A_156, %parallel_loop3A_157] {strides = array<i32>} : memref<256x64xf32, #tpu.memory_space<vmem>>, vector<16xf32>,
        tpu.vector_store %arg9[%parallel_loop3A_156, %parallel_loop3A_157], %parallel_loop3A_155 {strides = array<i32>} : memref<256x64xf32, #tpu.memory_space<vmem>>, vector<16xf32>,
      } {sc.loop_unroll_factor = 8 : i64, sc.parallel_access}
      %mul3A_131 = arith.constant 256 : i32
      %mul3A_132 = arith.muli %add3A_127, %mul3A_131 : i32
      %add3A_133 = arith.addi %mul3A_2, %mul3A_132 : i32
      "tpu.region"() ({
        %run_scoped3A = tpu.sem_alloc : memref<!tpu.dma_semaphore, #tpu.memory_space<semaphore_mem>>
        %dma_start3A_134 = arith.constant 0 : i32
        %dma_start3A_135 = tpu.memref_slice %arg4[%add3A_133, %dma_start3A_134] : memref<819200x64xf32, #tpu.memory_space<hbm>> -> memref<256x64xf32, #tpu.memory_space<hbm>>
        %dma_start3A_136 = arith.constant 0 : i32
        %dma_start3A_137 = tpu.memref_slice %arg4[%add3A_133, %dma_start3A_136] : memref<819200x64xf32, #tpu.memory_space<hbm>> -> memref<256x64xf32, #tpu.memory_space<hbm>>
        tpu.enqueue_dma source(%arg9 : memref<256x64xf32, #tpu.memory_space<vmem>>) target(%dma_start3A_137 : memref<256x64xf32, #tpu.memory_space<hbm>>) target_semaphore(%run_scoped3A : memref<!tpu.dma_semaphore, #tpu.memory_space<semaphore_mem>>)
        %dma_wait3A_138 = arith.constant 0 : i32
        %dma_wait3A_139 = tpu.memref_slice %arg4[%add3A_133, %dma_wait3A_138] : memref<819200x64xf32, #tpu.memory_space<hbm>> -> memref<256x64xf32, #tpu.memory_space<hbm>>
        %dma_wait3A_140 = arith.constant 0 : i32
        %dma_wait3A_141 = tpu.memref_slice %arg4[%add3A_133, %dma_wait3A_140] : memref<819200x64xf32, #tpu.memory_space<hbm>> -> memref<256x64xf32, #tpu.memory_space<hbm>>
        tpu.wait_dma2 semaphore(%run_scoped3A : memref<!tpu.dma_semaphore, #tpu.memory_space<semaphore_mem>>) src(%arg9 : memref<256x64xf32, #tpu.memory_space<vmem>>) dst(%dma_wait3A_141 : memref<256x64xf32, #tpu.memory_space<hbm>>)
        tpu.yield
      }) : () -> ()
    }
    %scan3A_24 = arith.constant 49 : i32
    %add3A_25 = arith.constant 25344 : i32
    %add3A_26 = arith.addi %mul3A_2, %add3A_25 : i32
    "tpu.region"() ({
      %run_scoped3A = tpu.sem_alloc : memref<!tpu.dma_semaphore, #tpu.memory_space<semaphore_mem>>
      %dma_start3A_63 = tpu.memref_slice %arg2[%add3A_26] : memref<819200xi32, #tpu.memory_space<hbm>> -> memref<256xi32, #tpu.memory_space<hbm>>
      %dma_start3A_64 = tpu.memref_slice %arg2[%add3A_26] : memref<819200xi32, #tpu.memory_space<hbm>> -> memref<256xi32, #tpu.memory_space<hbm>>
      tpu.enqueue_dma source(%dma_start3A_64 : memref<256xi32, #tpu.memory_space<hbm>>) target(%arg6 : memref<256xi32, #tpu.memory_space<vmem>>) target_semaphore(%run_scoped3A : memref<!tpu.dma_semaphore, #tpu.memory_space<semaphore_mem>>)
      %dma_wait3A_65 = tpu.memref_slice %arg2[%add3A_26] : memref<819200xi32, #tpu.memory_space<hbm>> -> memref<256xi32, #tpu.memory_space<hbm>>
      %dma_wait3A_66 = tpu.memref_slice %arg2[%add3A_26] : memref<819200xi32, #tpu.memory_space<hbm>> -> memref<256xi32, #tpu.memory_space<hbm>>
      tpu.wait_dma2 semaphore(%run_scoped3A : memref<!tpu.dma_semaphore, #tpu.memory_space<semaphore_mem>>) src(%dma_wait3A_66 : memref<256xi32, #tpu.memory_space<hbm>>) dst(%arg6 : memref<256xi32, #tpu.memory_space<vmem>>)
      tpu.yield
    }) : () -> ()
    %dma_start3A_27 = arith.constant 0 : i32
    %dma_start3A_28 = arith.constant 0 : i32
    %dma_start3A_29 = tpu.memref_slice %arg8[%dma_start3A_27, %dma_start3A_28] : memref<256x128xf32, #tpu.memory_space<vmem>> -> memref<128x128xf32, #tpu.memory_space<vmem>>
    %dma_start3A_30 = arith.constant 0 : i32
    %dma_start3A_31 = tpu.memref_slice %arg6[%dma_start3A_30] : memref<256xi32, #tpu.memory_space<vmem>> -> memref<128xi32, #tpu.memory_space<vmem>>
    %dma_start3A_32 = arith.constant 0 : i32
    %dma_start3A_33 = arith.constant 0 : i32
    %dma_start3A_34 = tpu.memref_slice %arg3[%dma_start3A_32, %dma_start3A_33] : memref<1000000x128xf32, #tpu.memory_space<hbm>> -> memref<1000000x128xf32, #tpu.memory_space<hbm>>
    tpu.enqueue_indirect_dma source(%dma_start3A_34 : memref<1000000x128xf32, #tpu.memory_space<hbm>>) target(%dma_start3A_29 : memref<128x128xf32, #tpu.memory_space<vmem>>) offsets(%dma_start3A_31 : memref<128xi32, #tpu.memory_space<vmem>>) semaphore(%arg10 : memref<!tpu.dma_semaphore, #tpu.memory_space<semaphore_mem>>)
    %dma_start3A_35 = arith.constant 128 : i32
    %dma_start3A_36 = arith.constant 0 : i32
    %dma_start3A_37 = tpu.memref_slice %arg8[%dma_start3A_35, %dma_start3A_36] : memref<256x128xf32, #tpu.memory_space<vmem>> -> memref<128x128xf32, #tpu.memory_space<vmem>>
    %dma_start3A_38 = arith.constant 128 : i32
    %dma_start3A_39 = tpu.memref_slice %arg6[%dma_start3A_38] : memref<256xi32, #tpu.memory_space<vmem>> -> memref<128xi32, #tpu.memory_space<vmem>>
    %dma_start3A_40 = arith.constant 0 : i32
    %dma_start3A_41 = arith.constant 0 : i32
    %dma_start3A_42 = tpu.memref_slice %arg3[%dma_start3A_40, %dma_start3A_41] : memref<1000000x128xf32, #tpu.memory_space<hbm>> -> memref<1000000x128xf32, #tpu.memory_space<hbm>>
    tpu.enqueue_indirect_dma source(%dma_start3A_42 : memref<1000000x128xf32, #tpu.memory_space<hbm>>) target(%dma_start3A_37 : memref<128x128xf32, #tpu.memory_space<vmem>>) offsets(%dma_start3A_39 : memref<128xi32, #tpu.memory_space<vmem>>) semaphore(%arg10 : memref<!tpu.dma_semaphore, #tpu.memory_space<semaphore_mem>>)
    %dma_wait3A = arith.constant 0 : i32
    %dma_wait3A_43 = arith.constant 0 : i32
    %dma_wait3A_44 = tpu.memref_slice %arg3[%dma_wait3A, %dma_wait3A_43] : memref<1000000x128xf32, #tpu.memory_space<hbm>> -> memref<256x128xf32, #tpu.memory_space<hbm>>
    %dma_wait3A_45 = arith.constant 0 : i32
    %dma_wait3A_46 = arith.constant 0 : i32
    %dma_wait3A_47 = tpu.memref_slice %arg3[%dma_wait3A_45, %dma_wait3A_46] : memref<1000000x128xf32, #tpu.memory_space<hbm>> -> memref<256x128xf32, #tpu.memory_space<hbm>>
    tpu.wait_dma2 semaphore(%arg10 : memref<!tpu.dma_semaphore, #tpu.memory_space<semaphore_mem>>) src(%dma_wait3A_47 : memref<256x128xf32, #tpu.memory_space<hbm>>) dst(%arg7 : memref<256x128xf32, #tpu.memory_space<vmem>>)
    %parallel_loop3A = arith.constant 0 : i32
    %parallel_loop3A_48 = arith.constant 256 : i32
    %parallel_loop3A_49 = arith.constant 1 : i32
    scf.for %parallel_loop3A_63 = %parallel_loop3A to %parallel_loop3A_48 step %parallel_loop3A_49  : i32 {
      %parallel_loop3A_64 = arith.index_cast %parallel_loop3A_63 : i32 to index
      %parallel_loop3A_65 = arith.constant 0 : index
      %parallel_loop3A_66 = tpu.vector_load %arg7[%parallel_loop3A_64, %parallel_loop3A_65] {strides = array<i32>} : memref<256x128xf32, #tpu.memory_space<vmem>>, vector<16xf32>,
      %parallel_loop3A_67 = arith.index_cast %parallel_loop3A_63 : i32 to index
      %parallel_loop3A_68 = arith.constant 0 : index
      %parallel_loop3A_69 = tpu.vector_load %arg9[%parallel_loop3A_67, %parallel_loop3A_68] {strides = array<i32>} : memref<256x64xf32, #tpu.memory_space<vmem>>, vector<16xf32>,
      tpu.vector_store %arg9[%parallel_loop3A_67, %parallel_loop3A_68], %parallel_loop3A_66 {strides = array<i32>} : memref<256x64xf32, #tpu.memory_space<vmem>>, vector<16xf32>,
      %parallel_loop3A_70 = arith.index_cast %parallel_loop3A_63 : i32 to index
      %parallel_loop3A_71 = arith.constant 16 : index
      %parallel_loop3A_72 = tpu.vector_load %arg7[%parallel_loop3A_70, %parallel_loop3A_71] {strides = array<i32>} : memref<256x128xf32, #tpu.memory_space<vmem>>, vector<16xf32>,
      %parallel_loop3A_73 = arith.index_cast %parallel_loop3A_63 : i32 to index
      %parallel_loop3A_74 = arith.constant 16 : index
      %parallel_loop3A_75 = tpu.vector_load %arg9[%parallel_loop3A_73, %parallel_loop3A_74] {strides = array<i32>} : memref<256x64xf32, #tpu.memory_space<vmem>>, vector<16xf32>,
      tpu.vector_store %arg9[%parallel_loop3A_73, %parallel_loop3A_74], %parallel_loop3A_72 {strides = array<i32>} : memref<256x64xf32, #tpu.memory_space<vmem>>, vector<16xf32>,
      %parallel_loop3A_76 = arith.index_cast %parallel_loop3A_63 : i32 to index
      %parallel_loop3A_77 = arith.constant 32 : index
      %parallel_loop3A_78 = tpu.vector_load %arg7[%parallel_loop3A_76, %parallel_loop3A_77] {strides = array<i32>} : memref<256x128xf32, #tpu.memory_space<vmem>>, vector<16xf32>,
      %parallel_loop3A_79 = arith.index_cast %parallel_loop3A_63 : i32 to index
      %parallel_loop3A_80 = arith.constant 32 : index
      %parallel_loop3A_81 = tpu.vector_load %arg9[%parallel_loop3A_79, %parallel_loop3A_80] {strides = array<i32>} : memref<256x64xf32, #tpu.memory_space<vmem>>, vector<16xf32>,
      tpu.vector_store %arg9[%parallel_loop3A_79, %parallel_loop3A_80], %parallel_loop3A_78 {strides = array<i32>} : memref<256x64xf32, #tpu.memory_space<vmem>>, vector<16xf32>,
      %parallel_loop3A_82 = arith.index_cast %parallel_loop3A_63 : i32 to index
      %parallel_loop3A_83 = arith.constant 48 : index
      %parallel_loop3A_84 = tpu.vector_load %arg7[%parallel_loop3A_82, %parallel_loop3A_83] {strides = array<i32>} : memref<256x128xf32, #tpu.memory_space<vmem>>, vector<16xf32>,
      %parallel_loop3A_85 = arith.index_cast %parallel_loop3A_63 : i32 to index
      %parallel_loop3A_86 = arith.constant 48 : index
      %parallel_loop3A_87 = tpu.vector_load %arg9[%parallel_loop3A_85, %parallel_loop3A_86] {strides = array<i32>} : memref<256x64xf32, #tpu.memory_space<vmem>>, vector<16xf32>,
      tpu.vector_store %arg9[%parallel_loop3A_85, %parallel_loop3A_86], %parallel_loop3A_84 {strides = array<i32>} : memref<256x64xf32, #tpu.memory_space<vmem>>, vector<16xf32>,
    } {sc.loop_unroll_factor = 8 : i64, sc.parallel_access}
    %add3A_50 = arith.constant 25088 : i32
    %add3A_51 = arith.addi %mul3A_2, %add3A_50 : i32
    "tpu.region"() ({
      %run_scoped3A = tpu.sem_alloc : memref<!tpu.dma_semaphore, #tpu.memory_space<semaphore_mem>>
      %dma_start3A_63 = arith.constant 0 : i32
      %dma_start3A_64 = tpu.memref_slice %arg4[%add3A_51, %dma_start3A_63] : memref<819200x64xf32, #tpu.memory_space<hbm>> -> memref<256x64xf32, #tpu.memory_space<hbm>>
      %dma_start3A_65 = arith.constant 0 : i32
      %dma_start3A_66 = tpu.memref_slice %arg4[%add3A_51, %dma_start3A_65] : memref<819200x64xf32, #tpu.memory_space<hbm>> -> memref<256x64xf32, #tpu.memory_space<hbm>>
      tpu.enqueue_dma source(%arg9 : memref<256x64xf32, #tpu.memory_space<vmem>>) target(%dma_start3A_66 : memref<256x64xf32, #tpu.memory_space<hbm>>) target_semaphore(%run_scoped3A : memref<!tpu.dma_semaphore, #tpu.memory_space<semaphore_mem>>)
      %dma_wait3A_67 = arith.constant 0 : i32
      %dma_wait3A_68 = tpu.memref_slice %arg4[%add3A_51, %dma_wait3A_67] : memref<819200x64xf32, #tpu.memory_space<hbm>> -> memref<256x64xf32, #tpu.memory_space<hbm>>
      %dma_wait3A_69 = arith.constant 0 : i32
      %dma_wait3A_70 = tpu.memref_slice %arg4[%add3A_51, %dma_wait3A_69] : memref<819200x64xf32, #tpu.memory_space<hbm>> -> memref<256x64xf32, #tpu.memory_space<hbm>>
      tpu.wait_dma2 semaphore(%run_scoped3A : memref<!tpu.dma_semaphore, #tpu.memory_space<semaphore_mem>>) src(%arg9 : memref<256x64xf32, #tpu.memory_space<vmem>>) dst(%dma_wait3A_70 : memref<256x64xf32, #tpu.memory_space<hbm>>)
      tpu.yield
    }) : () -> ()
    %dma_wait3A_52 = arith.constant 0 : i32
    %dma_wait3A_53 = arith.constant 0 : i32
    %dma_wait3A_54 = tpu.memref_slice %arg3[%dma_wait3A_52, %dma_wait3A_53] : memref<1000000x128xf32, #tpu.memory_space<hbm>> -> memref<256x128xf32, #tpu.memory_space<hbm>>
    %dma_wait3A_55 = arith.constant 0 : i32
    %dma_wait3A_56 = arith.constant 0 : i32
    %dma_wait3A_57 = tpu.memref_slice %arg3[%dma_wait3A_55, %dma_wait3A_56] : memref<1000000x128xf32, #tpu.memory_space<hbm>> -> memref<256x128xf32, #tpu.memory_space<hbm>>
    tpu.wait_dma2 semaphore(%arg10 : memref<!tpu.dma_semaphore, #tpu.memory_space<semaphore_mem>>) src(%dma_wait3A_57 : memref<256x128xf32, #tpu.memory_space<hbm>>) dst(%arg8 : memref<256x128xf32, #tpu.memory_space<vmem>>)
    %parallel_loop3A_58 = arith.constant 0 : i32
    %parallel_loop3A_59 = arith.constant 256 : i32
    %parallel_loop3A_60 = arith.constant 1 : i32
    scf.for %parallel_loop3A_63 = %parallel_loop3A_58 to %parallel_loop3A_59 step %parallel_loop3A_60  : i32 {
      %parallel_loop3A_64 = arith.index_cast %parallel_loop3A_63 : i32 to index
      %parallel_loop3A_65 = arith.constant 0 : index
      %parallel_loop3A_66 = tpu.vector_load %arg8[%parallel_loop3A_64, %parallel_loop3A_65] {strides = array<i32>} : memref<256x128xf32, #tpu.memory_space<vmem>>, vector<16xf32>,
      %parallel_loop3A_67 = arith.index_cast %parallel_loop3A_63 : i32 to index
      %parallel_loop3A_68 = arith.constant 0 : index
      %parallel_loop3A_69 = tpu.vector_load %arg9[%parallel_loop3A_67, %parallel_loop3A_68] {strides = array<i32>} : memref<256x64xf32, #tpu.memory_space<vmem>>, vector<16xf32>,
      tpu.vector_store %arg9[%parallel_loop3A_67, %parallel_loop3A_68], %parallel_loop3A_66 {strides = array<i32>} : memref<256x64xf32, #tpu.memory_space<vmem>>, vector<16xf32>,
      %parallel_loop3A_70 = arith.index_cast %parallel_loop3A_63 : i32 to index
      %parallel_loop3A_71 = arith.constant 16 : index
      %parallel_loop3A_72 = tpu.vector_load %arg8[%parallel_loop3A_70, %parallel_loop3A_71] {strides = array<i32>} : memref<256x128xf32, #tpu.memory_space<vmem>>, vector<16xf32>,
      %parallel_loop3A_73 = arith.index_cast %parallel_loop3A_63 : i32 to index
      %parallel_loop3A_74 = arith.constant 16 : index
      %parallel_loop3A_75 = tpu.vector_load %arg9[%parallel_loop3A_73, %parallel_loop3A_74] {strides = array<i32>} : memref<256x64xf32, #tpu.memory_space<vmem>>, vector<16xf32>,
      tpu.vector_store %arg9[%parallel_loop3A_73, %parallel_loop3A_74], %parallel_loop3A_72 {strides = array<i32>} : memref<256x64xf32, #tpu.memory_space<vmem>>, vector<16xf32>,
      %parallel_loop3A_76 = arith.index_cast %parallel_loop3A_63 : i32 to index
      %parallel_loop3A_77 = arith.constant 32 : index
      %parallel_loop3A_78 = tpu.vector_load %arg8[%parallel_loop3A_76, %parallel_loop3A_77] {strides = array<i32>} : memref<256x128xf32, #tpu.memory_space<vmem>>, vector<16xf32>,
      %parallel_loop3A_79 = arith.index_cast %parallel_loop3A_63 : i32 to index
      %parallel_loop3A_80 = arith.constant 32 : index
      %parallel_loop3A_81 = tpu.vector_load %arg9[%parallel_loop3A_79, %parallel_loop3A_80] {strides = array<i32>} : memref<256x64xf32, #tpu.memory_space<vmem>>, vector<16xf32>,
      tpu.vector_store %arg9[%parallel_loop3A_79, %parallel_loop3A_80], %parallel_loop3A_78 {strides = array<i32>} : memref<256x64xf32, #tpu.memory_space<vmem>>, vector<16xf32>,
      %parallel_loop3A_82 = arith.index_cast %parallel_loop3A_63 : i32 to index
      %parallel_loop3A_83 = arith.constant 48 : index
      %parallel_loop3A_84 = tpu.vector_load %arg8[%parallel_loop3A_82, %parallel_loop3A_83] {strides = array<i32>} : memref<256x128xf32, #tpu.memory_space<vmem>>, vector<16xf32>,
      %parallel_loop3A_85 = arith.index_cast %parallel_loop3A_63 : i32 to index
      %parallel_loop3A_86 = arith.constant 48 : index
      %parallel_loop3A_87 = tpu.vector_load %arg9[%parallel_loop3A_85, %parallel_loop3A_86] {strides = array<i32>} : memref<256x64xf32, #tpu.memory_space<vmem>>, vector<16xf32>,
      tpu.vector_store %arg9[%parallel_loop3A_85, %parallel_loop3A_86], %parallel_loop3A_84 {strides = array<i32>} : memref<256x64xf32, #tpu.memory_space<vmem>>, vector<16xf32>,
    } {sc.loop_unroll_factor = 8 : i64, sc.parallel_access}
    %add3A_61 = arith.constant 25344 : i32
    %add3A_62 = arith.addi %mul3A_2, %add3A_61 : i32
    "tpu.region"() ({
      %run_scoped3A = tpu.sem_alloc : memref<!tpu.dma_semaphore, #tpu.memory_space<semaphore_mem>>
      %dma_start3A_63 = arith.constant 0 : i32
      %dma_start3A_64 = tpu.memref_slice %arg4[%add3A_62, %dma_start3A_63] : memref<819200x64xf32, #tpu.memory_space<hbm>> -> memref<256x64xf32, #tpu.memory_space<hbm>>
      %dma_start3A_65 = arith.constant 0 : i32
      %dma_start3A_66 = tpu.memref_slice %arg4[%add3A_62, %dma_start3A_65] : memref<819200x64xf32, #tpu.memory_space<hbm>> -> memref<256x64xf32, #tpu.memory_space<hbm>>
      tpu.enqueue_dma source(%arg9 : memref<256x64xf32, #tpu.memory_space<vmem>>) target(%dma_start3A_66 : memref<256x64xf32, #tpu.memory_space<hbm>>) target_semaphore(%run_scoped3A : memref<!tpu.dma_semaphore, #tpu.memory_space<semaphore_mem>>)
      %dma_wait3A_67 = arith.constant 0 : i32
      %dma_wait3A_68 = tpu.memref_slice %arg4[%add3A_62, %dma_wait3A_67] : memref<819200x64xf32, #tpu.memory_space<hbm>> -> memref<256x64xf32, #tpu.memory_space<hbm>>
      %dma_wait3A_69 = arith.constant 0 : i32
      %dma_wait3A_70 = tpu.memref_slice %arg4[%add3A_62, %dma_wait3A_69] : memref<819200x64xf32, #tpu.memory_space<hbm>> -> memref<256x64xf32, #tpu.memory_space<hbm>>
      tpu.wait_dma2 semaphore(%run_scoped3A : memref<!tpu.dma_semaphore, #tpu.memory_space<semaphore_mem>>) src(%arg9 : memref<256x64xf32, #tpu.memory_space<vmem>>) dst(%dma_wait3A_70 : memref<256x64xf32, #tpu.memory_space<hbm>>)
      tpu.yield
    }) : () -> ()
    return
  }
}

</mosaic_0001>

<sc_bundles>
// kernel: kernel.3.cloned.1.call-start
scs
__scs_entry_jumppad:
0x0: {  	(pc) =	sbr.rel $0x88, $3  }
0x1: {  	(tag) =	ssettag $0x0;
	lr =	simm.s32 $0x1  }
0x2: {  	[smem:$0x3F9F] =	sst lr;
	_ =	strace $0xD0000000  }
0x3: {  	_ = 	snop  }
0x4: {  	_ = 	snop  }
0x5: {  	_ = 	snop  }
0x6: {  	_ = 	snop  }
0x7: {  	_ = 	snop  }
__scs_overlays_trampoline_lowered:
0x8: {  	[smem:$0x3FAE] =	sst s0  }
0x9: {  	[smem:$0x3FAF] =	sst s1  }
0xa: {  	[smem:$0x3FB0] =	sst s2  }
0xb: {  	[smem:$0x3FB1] =	sst s3  }
0xc: {  	[smem:$0x3FB2] =	sst s4  }
0xd: {  	[smem:$0x3FB3] =	sst s5  }
0xe: {  	[smem:$0x3FB4] =	sst s6  }
0xf: {  	[smem:$0x3FB5] =	sst s7  }
0x10: {  	[smem:$0x3FB6] =	sst s8  }
0x11: {  	[smem:$0x3FB7] =	sst s9;
	s0 =	simm.s32 @!p0 $0x0  }
0x12: {  	s1 =	sld [smem:$0x3F9D];
	s0 =	simm.s32 @p0 $0x1  }
0x13: {  	[smem:$0x3FB8] =	sst s0;
	s0 =	simm.s32 @!p1 $0x0  }
0x14: {  	s2 =	sld [smem:$0x3F9C];
	s0 =	simm.s32 @p1 $0x1  }
0x15: {  	[smem:$0x3FB9] =	sst s0;
	s0 =	simm.s32 @!p2 $0x0  }
0x16: {  	s3 =	sld [smem:$0x3FDB];
	s0 =	simm.s32 @p2 $0x1  }
0x17: {  	s4 =	simm.s32 $0x1BF5;
	[smem:$0x3FBB] =	sst s0  }
0x18: {  	s0 =	sld [smem:$0x3F9E];
	_ =	swait.ge [sflag:s4], $0x0  }
0x19: {  	s7 =	sld [smem:$0x3F9F]  }
0x1a: {  	s8 =	sadd.s32 $0xFFFFE003, lr  }
0x1b: {  	s9 =	sadd.s32 $0xFFFFFEF7, lr;
	s5 =	simm.s32 $0xFFFFFFFF;
	p2 =	slt.u32 s8, $0xFFFFF086  }
0x1c: {  	p1 =	slt.u32 s9, $0xF7A;
	s5 =	simm.s32 @!p2 $0x0  }
0x1d: {  	s5 =	simm.s32 @p1 $0x1;
	p0 =	seq.s32 s7, s2  }
0x1e: {  	s7 =	smul.u32 @!p0 $0xF7A, s2;
	p2 =	seq.s32 @!p0 s5, $0x0  }
0x1f: {  	s9 =	smul.u32 $0xF7A, s1;
	s8 =	simm.s32 @!p0 $0x1BF5;
	p2 =	por !p2, p0  }
0x20: {  	[sflag:s8] =	ssyncset.s32 @!p0 $0xFFFFF086;
	s6 =	sadd.s32 @!p0 s3, s7;
	s7 =	simm.s32 @!p0 $0x108  }
0x21: {  	s3 =	sadd.s32 s3, s9;
	s6 =	sadd.s32 @!p0 $0x88, s6;
	s7 =	simm.s32 @p2 $0x1082  }
0x22: {  	[simem:s7], [sflag:s8] =	dma.local @!p0 [hbm:s6], $0xF7A  }
0x23: {  	s9 =	sor.u32 $0xD0000000, s2;
	s6 =	simm.s32 $0x108;
	_ =	swait.ge @!p0 [sflag:s8], $0x0  }
0x24: {  	s3 =	sadd.s32 $0x88, s3;
	s6 =	simm.s32 @!p1 $0x1082;
	[sflag:s4] =	ssyncset.s32 $0xFFFFF086  }
0x25: {  	[simem:s6], [sflag:s4] =	dma.local [hbm:s3], $0xF7A  }
0x26: {  	[smem:$0x3F9F] =	sst s1;
	(tag) =	ssettag s2;
	_ =	strace s9  }
0x27: {  	s1 =	sld [smem:$0x3FAF]  }
0x28: {  	s2 =	sld [smem:$0x3FB0]  }
0x29: {  	s4 =	sld [smem:$0x3FB2]  }
0x2a: {  	p0 =	seq.s32 s5, $0x0;
	s5 =	sld [smem:$0x3FB3]  }
0x2b: {  	s6 =	sld [smem:$0x3FB4]  }
0x2c: {  	s7 =	sld [smem:$0x3FB5]  }
0x2d: {  	s3 =	simm.s32 $0x108;
	s8 =	sld [smem:$0x3FB6]  }
0x2e: {  	s3 =	simm.s32 @!p0 $0x1082;
	s9 =	sld [smem:$0x3FB7]  }
0x2f: {  	lr =	sadd.s32 s0, s3;
	s0 =	sld [smem:$0x3FAE]  }
0x30: {  	s3 =	sld [smem:$0x3FB1]  }
0x31: {  	[smem:$0x3FBA] =	sst s10  }
0x32: {  	s10 =	sld [smem:$0x3FB8];
	_ =	sdelay $0x3  }
0x33: {  	p0 =	seq.s32 s10, $0x1;
	s10 =	sld [smem:$0x3FBA];
	_ =	sdelay $0x3  }
0x34: {  	[smem:$0x3FBA] =	sst s10  }
0x35: {  	s10 =	sld [smem:$0x3FB9];
	_ =	sdelay $0x3  }
0x36: {  	p1 =	seq.s32 s10, $0x1;
	s10 =	sld [smem:$0x3FBA];
	_ =	sdelay $0x3  }
0x37: {  	[smem:$0x3FBA] =	sst s10  }
0x38: {  	s10 =	sld [smem:$0x3FBB]  }
0x39: {  	_ = 	snop;
	(pc) =	sbr.ind lr, $3  }
0x3a: {  	_ = 	snop  }
0x3b: {  	_ = 	snop  }
0x3c: {  	p2 =	seq.s32 s10, $0x1;
	s10 =	sld [smem:$0x3FBA]  }
0x3d: {  	_ =	shalt  }
0x3e: {  	_ =	shalt  }
0x3f: {  	_ =	shalt  }
0x40: {  	_ =	shalt  }
0x41: {  	_ =	shalt  }
0x42: {  	_ =	shalt  }
0x43: {  	_ =	shalt  }
0x44: {  	_ =	shalt  }
0x45: {  	_ =	shalt  }
0x46: {  	_ =	shalt  }
0x47: {  	_ =	shalt  }
0x48: {  	_ =	shalt  }
0x49: {  	_ =	shalt  }
0x4a: {  	_ =	shalt  }
0x4b: {  	_ =	shalt  }
0x4c: {  	_ =	shalt  }
0x4d: {  	_ =	shalt  }
0x4e: {  	_ =	shalt  }
0x4f: {  	_ =	shalt  }
0x50: {  	_ =	shalt  }
0x51: {  	_ =	shalt  }
0x52: {  	_ =	shalt  }
0x53: {  	_ =	shalt  }
0x54: {  	_ =	shalt  }
0x55: {  	_ =	shalt  }
0x56: {  	_ =	shalt  }
0x57: {  	_ =	shalt  }
0x58: {  	_ =	shalt  }
0x59: {  	_ =	shalt  }
0x5a: {  	_ =	shalt  }
0x5b: {  	_ =	shalt  }
0x5c: {  	_ =	shalt  }
0x5d: {  	_ =	shalt  }
0x5e: {  	_ =	shalt  }
0x5f: {  	_ =	shalt  }
0x60: {  	_ =	shalt  }
0x61: {  	_ =	shalt  }
0x62: {  	_ =	shalt  }
0x63: {  	_ =	shalt  }
0x64: {  	_ =	shalt  }
0x65: {  	_ =	shalt  }
0x66: {  	_ =	shalt  }
0x67: {  	_ =	shalt  }
0x68: {  	_ =	shalt  }
0x69: {  	_ =	shalt  }
0x6a: {  	_ =	shalt  }
0x6b: {  	_ =	shalt  }
0x6c: {  	_ =	shalt  }
0x6d: {  	_ =	shalt  }
0x6e: {  	_ =	shalt  }
0x6f: {  	_ =	shalt  }
0x70: {  	_ =	shalt  }
0x71: {  	_ =	shalt  }
0x72: {  	_ =	shalt  }
0x73: {  	_ =	shalt  }
0x74: {  	_ =	shalt  }
0x75: {  	_ =	shalt  }
0x76: {  	_ =	shalt  }
0x77: {  	_ =	shalt  }
0x78: {  	_ =	shalt  }
0x79: {  	_ =	shalt  }
0x7a: {  	_ =	shalt  }
0x7b: {  	_ =	shalt  }
0x7c: {  	_ =	shalt  }
0x7d: {  	_ =	shalt  }
0x7e: {  	_ =	shalt  }
0x7f: {  	_ =	shalt  }
0x80: {  	_ =	shalt  }
0x81: {  	_ =	shalt  }
0x82: {  	_ =	shalt  }
0x83: {  	_ =	shalt  }
0x84: {  	_ =	shalt  }
0x85: {  	_ =	shalt  }
0x86: {  	_ =	shalt  }
0x87: {  	_ =	shalt  }
.Lfunc_end0:
.L_simem_size_0:
called_computation.1_lowered:
.L_overlay_start_0:
0x88: {  	s2 =	sld [smem:$0x3FD9]  }
0x89: {  	s3 =	sld [smem:$0x3FFE];
	_ =	sdelay $0x1  }
0x8a: {  	s1 =	srdreg.scid  }
0x8b: {  	s0 =	sand.u32 $0x1, s1  }
0x8c: {  	s17 =	sshll.u32 s0, $0xA;
	s2 =	sadd.s32 s3, s2  }
0x8d: {  	s2 =	sadd.s32 s2, s17  }
0x8e: {  	[smem:$0x3FC6] =	sst s2  }
0x8f: {  	_ = 	snop  }
0x90: {  	s2 =	sld [smem:$0x3FD0];
	(tm) =	ssettm $0x1  }
0x91: {  	s18 =	sld [smem:$0x3FFB];
	_ =	sdelay $0x3  }
0x92: {  	_ =	strace s18  }
0x93: {  	s3 =	sld [smem:$0x3FFC];
	_ =	sdelay $0x3  }
0x94: {  	_ =	strace s3  }
0x95: {  	s3 =	sld [smem:$0x3FFD];
	_ =	sdelay $0x3  }
0x96: {  	_ =	strace s3  }
0x97: {  	_ =	strace $0x8FFFFFFF  }
0x98: {  	s19 =	sld [smem:$0x3FDB];
	_ =	sdelay $0x1  }
0x99: {  	s4 =	simm.s32 $_scs_section_size  }
0x9a: {  	s5 =	simm.s32 $_size__tile_overlayer_lowered;
	s6 =	simm.s32 $_tile_overlayer_lowered  }
0x9b: {  	s22 =	simm.s32 $0x1BFF;
	s21 =	sshll.u32 s6, $0x1;
	s3 =	sadd.s32 s4, s19  }
0x9c: {  	s7 =	simm.s32 $0x0;
	s20 =	sshll.u32 s5, $0x1;
	s5 =	sadd.s32 s21, s3  }
0x9d: {  	[timem:s7], [sflag:s22] =	dma.local [hbm:s5], s20  }
0x9e: {  	_ =	swait.ge [sflag:s22], s20  }
0x9f: {  	s4 =	ssub.s32 $0x0, s20;
	[sflag:s22] =	ssyncset.done $0x0  }
0xa0: {  	[sflag:s22] =	ssyncadd.s32 s4;
	_ =	sdelay $0x1  }
0xa1: {  	s23 =	simm.s32 $0x1B8B  }
0xa2: {  	_ =	swait.ge [sflag:s23], $0x1  }
0xa3: {  	[sflag:s23] =	ssyncset.done $0x0  }
0xa4: {  	s25 =	simm.s32 $0x1B8E;
	s24 =	sld [smem:$0x3FFE];
	[sflag:s23] =	ssyncadd.s32 $0xFFFFFFFF  }
0xa5: {  	s26 =	simm.s32 $execute0_lowered;
	[smem:$0x3FD2] =	sst s25  }
0xa6: {  	s5 =	sshll.u32 s26, $0x1;
	_ =	strace $0x80000046;
	[dreg:$0x1] =	wrdreg $0xFFFFFFFF  }
0xa7: {  	s28 =	simm.s32 $_size_execute0_lowered;
	s3 =	sadd.s32 s3, s5;
	[dreg:$0x0] =	wrdreg $0x0  }
0xa8: {  	s5 =	sshll.u32 s28, $0x1;
	[dreg:$0x2] =	wrdreg s3  }
0xa9: {  	[dreg:$0x3] =	wrdreg s5  }
0xaa: {  	[dreg:$0x4] =	wrdreg $0xC0  }
0xab: {  	_ =	task [dreg:s7], $0x5FFFF  }
0xac: {  	[dreg:$0x1] =	wrdreg $0xFFFFFFFF  }
0xad: {  	[dreg:$0x0] =	wrdreg $0x60  }
0xae: {  	[dreg:$0x2] =	wrdreg s2  }
0xaf: {  	[dreg:$0x3] =	wrdreg s24  }
0xb0: {  	[dreg:$0x4] =	wrdreg $0x9  }
0xb1: {  	_ =	task.clear_ibuf [dreg:s7], $0x5FFFF;
	_ =	strace $0x90000046  }
0xb2: {  	s29 =	simm.s32 $0x9;
	_ =	strace $0x80000048  }
0xb3: {  	_ =	swait.ge [sflag:s29], $0x1  }
0xb4: {  	[sflag:s29] =	ssyncadd.s32 $0xFFFFFFFF  }
0xb5: {  	_ =	strace $0x90000048  }
0xb6: {  	_ =	sfence  }
0xb7: {  	s30 =	sld [smem:$0x0];
	_ =	sdelay $0x2  }
0xb8: {  	s31 =	sshll.u32 s1, $0xD;
	s1 =	sshrl.u32 s1, $0x2  }
0xb9: {  	s3 =	sand.u32 $0x4000, s31;
	s1 =	sadd.s32 s1, s30  }
0xba: {  	s0 =	sor.u32 s3, s0;
	s1 =	sshll.u32 s1, $0x11  }
0xbb: {  	s0 =	sor.u32 s1, s0  }
0xbc: {  	s0 =	sadd.s32 $0x8F2B, s0  }
0xbd: {  	[sflag:s0] =	ssyncadd.remote.s32 $0x1  }
0xbe: {  	_ =	sfence.sel $0xFFFF  }
0xbf: {  	[dreg:$0x0] =	wrdreg $0xFFFFFFFF;
	(pc) =	sbr.abs _section_cstart, $3  }
0xc0: {  	[dreg:$0x1] =	wrdreg $0xFFFFFFFF  }
0xc1: {  	_ =	task.clear_ibuf [dreg:s7], $0x2FFFF;
	_ =	strace $0x9FFFFFFF  }
0xc2: {  	(tm) =	ssettm $0x7FFFFFFF  }
0xc3: {  	_ =	shalt  }
tec
execute0_lowered:
.L_overlay_start_1:
0x0: {  	(tag) =	ssettag $0x1  }
0x1: {  	s2 =	rddreg [dreg:$0x0];
	s1 =	srdreg.scid  }
0x2: {  	s0 =	stileid.u32;
	s7 =	rddreg [dreg:$0x1];
	s3 =	simm.s32 $0x0  }
0x3: {  	s15 =	simm.s32 $0x80;
	s16 =	simm.s32 $0x200;
	s17 =	simm.s32 $0x4200  }
0x4: {  	s18 =	simm.s32 $0x100;
	s19 =	simm.s32 $0x8200;
	s20 =	simm.s32 $0x180  }
0x5: {  	s21 =	simm.s32 $0xC200;
	s22 =	simm.s32 $0x1;
	s23 =	simm.s32 $0x10200  }
0x6: {  	s6 =	sand.u32 $0x1, s1;
	s4 =	sshll.u32 s0, $0x1;
	s1 =	rddreg [dreg:$0x2]  }
0x7: {  	s24 =	simm.s32 $0x0;
	[smem:$0x7FF] =	sst s3;
	s8 =	sor.u32 s6, s4  }
0x8: {  	s5 =	sadd.s32 $0xF42E00, s7;
	s9 =	ssub.s32 $0x2, s6;
	s4 =	smul.u32 $0x6400, s8  }
0x9: {  	s7 =	sadd.s32 $0xA00, s7;
	s10 =	sshrl.u32 s9, $0x1;
	s6 =	smul.u32 $0x320000, s8  }
0xa: {  	_ =	strace $0x80000047;
	s13 =	ssub.s32 s9, s10;
	s11 =	sshrl.u32 s4, $0x3  }
0xb: {  	s9 =	sor.u32 $0x200, s4;
	s30 =	sadd.s32 $0x6300, s4;
	s31 =	sshrl.u32 s6, $0x3  }
0xc: {  	s13 =	smax.u32 s13, $0x1;
	s8 =	sadd.s32 s2, s11;
	s12 =	sshrl.u32 s30, $0x3  }
0xd: {  	s11 =	sadd.s32 s7, s31;
	s14 =	sshll.u32 s30, $0x4;
	s10 =	sadd.s32 s2, s12  }
0xe: {  	s11 =	sadd.s32 $0x62000, s11;
	s12 =	sadd.s32 s7, s14;
	s14 =	simm.s32 $0x2  }
.LBB2_1:
0xf: {  	[tilespmem:s3], [sflag:$0x2] =	stream.linear.gather [hbm4b:s8+s3], $0x100, $0x38;
	[tilespmem:$0x18200] =	vst v63  }
0x10: {  	_ =	swait.ge [sflag:s14], $0x100  }
0x11: {  	[sflag:s14] =	ssyncset.done $0x0  }
0x12: {  	[sflag:s14] =	ssyncadd.s32 $0xFFFFFF00  }
0x13: {  	[tilespmem:s16], [sflag:$0x1] =	stream.indirect.gather [hbm4b:s5+s15], $0x80, s3, s15, $0xb8;
	[tilespmem:$0x18200] =	vst v63  }
0x14: {  	s25 =	simm.s32 $0x0  }
0x15: {  	[tilespmem:s17], [sflag:$0x1] =	stream.indirect.gather [hbm4b:s5+s15], $0x80, s15, s15, $0xb8;
	[tilespmem:$0x18200] =	vst v63  }
.LBB2_2:
0x16: {  	s28 =	sshll.u32 s25, $0x9  }
0x17: {  	s26 =	sadd.s32 s28, s4  }
0x18: {  	s26 =	sadd.s32 $0x100, s26  }
0x19: {  	s29 =	sshrl.u32 s26, $0x3  }
0x1a: {  	s29 =	sadd.s32 s2, s29  }
0x1b: {  	[tilespmem:s18], [sflag:$0x2] =	stream.linear.gather [hbm4b:s29+s3], $0x100, $0x38;
	[tilespmem:$0x18200] =	vst v63  }
0x1c: {  	_ =	swait.ge [sflag:s14], $0x100  }
0x1d: {  	[sflag:s14] =	ssyncset.done $0x0  }
0x1e: {  	[sflag:s14] =	ssyncadd.s32 $0xFFFFFF00  }
0x1f: {  	[tilespmem:s19], [sflag:$0x1] =	stream.indirect.gather [hbm4b:s5+s15], $0x80, s18, s15, $0xb8;
	[tilespmem:$0x18200] =	vst v63  }
0x20: {  	_ = 	snop  }
0x21: {  	[tilespmem:s21], [sflag:$0x1] =	stream.indirect.gather [hbm4b:s5+s15], $0x80, s20, s15, $0xb8;
	[tilespmem:$0x18200] =	vst v63  }
0x22: {  	_ =	swait.ge [sflag:s22], $0x8000  }
0x23: {  	[sflag:s22] =	ssyncset.done $0x0  }
0x24: {  	s31 =	simm.s32 $0x400;
	[sflag:s22] =	ssyncadd.s32 $0xFFFF8000  }
0x25: {  	v0 =	vld [tilespmem:s31+$0x180]  }
0x26: {  	v1 =	vld [tilespmem:s31+$0xFFFFFE80]  }
0x27: {  	v2 =	vld [tilespmem:s31+$0xFFFFFF00]  }
0x28: {  	v3 =	vld [tilespmem:s31+$0xFFFFFF80]  }
0x29: {  	s29 =	simm.s32 $0x10400;
	v4 =	vld [tilespmem:s31+$0x0]  }
0x2a: {  	v5 =	vld [tilespmem:s31+$0x80];
	[tilespmem:s29+$0x180] =	vst v0  }
0x2b: {  	[tilespmem:s29+$0xFFFFFE80] =	vst v1;
	v1 =	vld [tilespmem:s31+$0x100]  }
0x2c: {  	[tilespmem:s29+$0xFFFFFF00] =	vst v2;
	v2 =	vld [tilespmem:s31+$0xFFFFFE00]  }
0x2d: {  	[tilespmem:s29+$0xFFFFFF80] =	vst v3;
	v0 =	vld [tilespmem:s31+$0x190]  }
0x2e: {  	[tilespmem:s29+$0x0] =	vst v4;
	v3 =	vld [tilespmem:s31+$0xFFFFFE90]  }
0x2f: {  	[tilespmem:s29+$0x80] =	vst v5;
	v4 =	vld [tilespmem:s31+$0xFFFFFF10]  }
0x30: {  	v5 =	vld [tilespmem:s31+$0xFFFFFF90];
	[tilespmem:s29+$0x100] =	vst v1  }
0x31: {  	[tilespmem:s29+$0xFFFFFE00] =	vst v2;
	v1 =	vld [tilespmem:s31+$0x10]  }
0x32: {  	[tilespmem:s29+$0x190] =	vst v0;
	v2 =	vld [tilespmem:s31+$0xFFFFFE10]  }
0x33: {  	[tilespmem:s29+$0xFFFFFE90] =	vst v3;
	v3 =	vld [tilespmem:s31+$0x90]  }
0x34: {  	[tilespmem:s29+$0xFFFFFF10] =	vst v4;
	v4 =	vld [tilespmem:s31+$0x110]  }
0x35: {  	[tilespmem:s29+$0xFFFFFF90] =	vst v5;
	v0 =	vld [tilespmem:s31+$0x1A0]  }
0x36: {  	v5 =	vld [tilespmem:s31+$0xFFFFFEA0];
	[tilespmem:s29+$0x10] =	vst v1  }
0x37: {  	v1 =	vld [tilespmem:s31+$0xFFFFFF20];
	[tilespmem:s29+$0xFFFFFE10] =	vst v2  }
0x38: {  	[tilespmem:s29+$0x90] =	vst v3;
	v3 =	vld [tilespmem:s31+$0xFFFFFFA0]  }
0x39: {  	[tilespmem:s29+$0x110] =	vst v4;
	v2 =	vld [tilespmem:s31+$0xFFFFFE20]  }
0x3a: {  	v4 =	vld [tilespmem:s31+$0x20];
	[tilespmem:s29+$0x1A0] =	vst v0  }
0x3b: {  	[tilespmem:s29+$0xFFFFFEA0] =	vst v5;
	v0 =	vld [tilespmem:s31+$0x1B0]  }
0x3c: {  	v5 =	vld [tilespmem:s31+$0xA0];
	[tilespmem:s29+$0xFFFFFF20] =	vst v1  }
0x3d: {  	v6 =	vld [tilespmem:s31+$0x120];
	[tilespmem:s29+$0xFFFFFFA0] =	vst v3  }
0x3e: {  	v7 =	vld [tilespmem:s31+$0xFFFFFEB0];
	[tilespmem:s29+$0xFFFFFE20] =	vst v2  }
0x3f: {  	[tilespmem:s29+$0x20] =	vst v4;
	v8 =	vld [tilespmem:s31+$0xFFFFFE30]  }
0x40: {  	[tilespmem:s29+$0x1B0] =	vst v0;
	v0 =	vld [tilespmem:s31+$0xFFFFFF30]  }
0x41: {  	v1 =	vld [tilespmem:s31+$0xFFFFFFB0];
	[tilespmem:s29+$0xA0] =	vst v5  }
0x42: {  	v2 =	vld [tilespmem:s31+$0x30];
	[tilespmem:s29+$0x120] =	vst v6  }
0x43: {  	[tilespmem:s29+$0xFFFFFEB0] =	vst v7;
	v3 =	vld [tilespmem:s31+$0xB0]  }
0x44: {  	s30 =	simm.s32 $0x0;
	v4 =	vld [tilespmem:s31+$0x130];
	s31 =	simm.s32 $0x800;
	[tilespmem:s29+$0xFFFFFE30] =	vst v8  }
.LBB2_3:
0x45: {  	v5 =	vld [tilespmem:s31+$0x180];
	s30 =	sadd.s32 $0x8, s30;
	[tilespmem:s29+$0xFFFFFF30] =	vst v0  }
0x46: {  	v0 =	vld [tilespmem:s31+$0xFFFFFE80];
	p0 =	slt.u32 s30, $0xF8;
	[tilespmem:s29+$0xFFFFFFB0] =	vst v1  }
0x47: {  	v1 =	vld [tilespmem:s31+$0xFFFFFF00];
	[tilespmem:s29+$0x30] =	vst v2  }
0x48: {  	v2 =	vld [tilespmem:s31+$0xFFFFFF80];
	[tilespmem:s29+$0xB0] =	vst v3  }
0x49: {  	v3 =	vld [tilespmem:s31+$0x0];
	[tilespmem:s29+$0x130] =	vst v4;
	s29 =	sadd.s32 $0x400, s29  }
0x4a: {  	v4 =	vld [tilespmem:s31+$0x80];
	[tilespmem:s29+$0x180] =	vst v5  }
0x4b: {  	[tilespmem:s29+$0xFFFFFE80] =	vst v0;
	v0 =	vld [tilespmem:s31+$0x190]  }
0x4c: {  	[tilespmem:s29+$0xFFFFFF00] =	vst v1;
	v1 =	vld [tilespmem:s31+$0x100]  }
0x4d: {  	v5 =	vld [tilespmem:s31+$0xFFFFFE00];
	[tilespmem:s29+$0xFFFFFF80] =	vst v2  }
0x4e: {  	v2 =	vld [tilespmem:s31+$0xFFFFFE90];
	[tilespmem:s29+$0x0] =	vst v3  }
0x4f: {  	v3 =	vld [tilespmem:s31+$0xFFFFFF10];
	[tilespmem:s29+$0x80] =	vst v4  }
0x50: {  	v4 =	vld [tilespmem:s31+$0xFFFFFF90];
	[tilespmem:s29+$0x190] =	vst v0  }
0x51: {  	[tilespmem:s29+$0x100] =	vst v1;
	v0 =	vld [tilespmem:s31+$0x1A0]  }
0x52: {  	[tilespmem:s29+$0xFFFFFE00] =	vst v5;
	v1 =	vld [tilespmem:s31+$0x10]  }
0x53: {  	v5 =	vld [tilespmem:s31+$0xFFFFFE10];
	[tilespmem:s29+$0xFFFFFE90] =	vst v2  }
0x54: {  	[tilespmem:s29+$0xFFFFFF10] =	vst v3;
	v2 =	vld [tilespmem:s31+$0x90]  }
0x55: {  	[tilespmem:s29+$0xFFFFFF90] =	vst v4;
	v3 =	vld [tilespmem:s31+$0x110]  }
0x56: {  	v4 =	vld [tilespmem:s31+$0xFFFFFEA0];
	[tilespmem:s29+$0x1A0] =	vst v0  }
0x57: {  	[tilespmem:s29+$0x10] =	vst v1;
	v0 =	vld [tilespmem:s31+$0x1B0]  }
0x58: {  	[tilespmem:s29+$0xFFFFFE10] =	vst v5;
	v1 =	vld [tilespmem:s31+$0xFFFFFF20]  }
0x59: {  	v5 =	vld [tilespmem:s31+$0xFFFFFE20];
	[tilespmem:s29+$0x90] =	vst v2  }
0x5a: {  	v2 =	vld [tilespmem:s31+$0xFFFFFFA0];
	[tilespmem:s29+$0x110] =	vst v3  }
0x5b: {  	[tilespmem:s29+$0xFFFFFEA0] =	vst v4;
	v3 =	vld [tilespmem:s31+$0x20]  }
0x5c: {  	v4 =	vld [tilespmem:s31+$0xA0];
	[tilespmem:s29+$0x1B0] =	vst v0  }
0x5d: {  	[tilespmem:s29+$0xFFFFFF20] =	vst v1;
	v6 =	vld [tilespmem:s31+$0x120]  }
0x5e: {  	[tilespmem:s29+$0xFFFFFE20] =	vst v5;
	v5 =	vld [tilespmem:s31+$0xFFFFFEB0]  }
0x5f: {  	v7 =	vld [tilespmem:s31+$0xFFFFFE30];
	[tilespmem:s29+$0xFFFFFFA0] =	vst v2  }
.Ltmp0:
0x60: {  	v0 =	vld [tilespmem:s31+$0xFFFFFF30];
	[tilespmem:s29+$0x20] =	vst v3;
	(pc) =	sbr.rel @p0 .LBB2_3-.Ltmp0, $4  }
0x61: {  	v1 =	vld [tilespmem:s31+$0xFFFFFFB0];
	[tilespmem:s29+$0xA0] =	vst v4  }
0x62: {  	v2 =	vld [tilespmem:s31+$0x30];
	[tilespmem:s29+$0x120] =	vst v6  }
0x63: {  	[tilespmem:s29+$0xFFFFFEB0] =	vst v5;
	v3 =	vld [tilespmem:s31+$0xB0]  }
0x64: {  	[tilespmem:s29+$0xFFFFFE30] =	vst v7;
	v4 =	vld [tilespmem:s31+$0x130];
	s31 =	sadd.s32 $0x400, s31  }
0x65: {  	[tilespmem:s29+$0xFFFFFF30] =	vst v0  }
0x66: {  	s30 =	sshll.u32 s25, $0x10;
	[tilespmem:s29+$0xFFFFFFB0] =	vst v1  }
0x67: {  	s30 =	sadd.s32 s6, s30;
	[tilespmem:s29+$0x30] =	vst v2  }
0x68: {  	s30 =	sshrl.u32 s30, $0x3;
	[tilespmem:s29+$0xB0] =	vst v3  }
0x69: {  	[tilespmem:s29+$0x130] =	vst v4;
	s29 =	sadd.s32 s7, s30  }
0x6a: {  	[hbm4b:s29+s3] =	stream.linear.scatter [tilespmem:s23], [sflag:$0x2], $0x8000, $0x38;
	[tilespmem:$0x18200] =	vst v63  }
0x6b: {  	s28 =	sadd.s32 s28, s9;
	_ =	swait.ge [sflag:s14], $0x8000  }
0x6c: {  	s28 =	sshrl.u32 s28, $0x3;
	[sflag:s14] =	ssyncset.done $0x0  }
0x6d: {  	s28 =	sadd.s32 s2, s28;
	[sflag:s14] =	ssyncadd.s32 $0xFFFF8000  }
0x6e: {  	[tilespmem:s3], [sflag:$0x2] =	stream.linear.gather [hbm4b:s28+s3], $0x100, $0x38;
	[tilespmem:$0x18200] =	vst v63  }
0x6f: {  	_ =	swait.ge [sflag:s14], $0x100  }
0x70: {  	[sflag:s14] =	ssyncset.done $0x0  }
0x71: {  	[sflag:s14] =	ssyncadd.s32 $0xFFFFFF00  }
0x72: {  	[tilespmem:s16], [sflag:$0x1] =	stream.indirect.gather [hbm4b:s5+s15], $0x80, s3, s15, $0xb8;
	[tilespmem:$0x18200] =	vst v63  }
0x73: {  	_ = 	snop  }
0x74: {  	[tilespmem:s17], [sflag:$0x1] =	stream.indirect.gather [hbm4b:s5+s15], $0x80, s15, s15, $0xb8;
	[tilespmem:$0x18200] =	vst v63  }
0x75: {  	_ =	swait.ge [sflag:s22], $0x8000  }
0x76: {  	[sflag:s22] =	ssyncset.done $0x0  }
0x77: {  	s30 =	simm.s32 $0x8400;
	[sflag:s22] =	ssyncadd.s32 $0xFFFF8000  }
0x78: {  	v0 =	vld [tilespmem:s30+$0x180]  }
0x79: {  	v1 =	vld [tilespmem:s30+$0xFFFFFE80]  }
0x7a: {  	v2 =	vld [tilespmem:s30+$0xFFFFFF00]  }
0x7b: {  	v3 =	vld [tilespmem:s30+$0xFFFFFF80]  }
0x7c: {  	s28 =	simm.s32 $0x10400;
	v4 =	vld [tilespmem:s30+$0x0]  }
0x7d: {  	v5 =	vld [tilespmem:s30+$0x80];
	[tilespmem:s28+$0x180] =	vst v0  }
0x7e: {  	[tilespmem:s28+$0xFFFFFE80] =	vst v1;
	v1 =	vld [tilespmem:s30+$0x100]  }
0x7f: {  	[tilespmem:s28+$0xFFFFFF00] =	vst v2;
	v2 =	vld [tilespmem:s30+$0xFFFFFE00]  }
0x80: {  	[tilespmem:s28+$0xFFFFFF80] =	vst v3;
	v0 =	vld [tilespmem:s30+$0x190]  }
0x81: {  	[tilespmem:s28+$0x0] =	vst v4;
	v3 =	vld [tilespmem:s30+$0xFFFFFE90]  }
0x82: {  	[tilespmem:s28+$0x80] =	vst v5;
	v4 =	vld [tilespmem:s30+$0xFFFFFF10]  }
0x83: {  	v5 =	vld [tilespmem:s30+$0xFFFFFF90];
	[tilespmem:s28+$0x100] =	vst v1  }
0x84: {  	[tilespmem:s28+$0xFFFFFE00] =	vst v2;
	v1 =	vld [tilespmem:s30+$0x10]  }
0x85: {  	[tilespmem:s28+$0x190] =	vst v0;
	v2 =	vld [tilespmem:s30+$0xFFFFFE10]  }
0x86: {  	[tilespmem:s28+$0xFFFFFE90] =	vst v3;
	v3 =	vld [tilespmem:s30+$0x90]  }
0x87: {  	[tilespmem:s28+$0xFFFFFF10] =	vst v4;
	v4 =	vld [tilespmem:s30+$0x110]  }
0x88: {  	[tilespmem:s28+$0xFFFFFF90] =	vst v5;
	v0 =	vld [tilespmem:s30+$0x1A0]  }
0x89: {  	v5 =	vld [tilespmem:s30+$0xFFFFFEA0];
	[tilespmem:s28+$0x10] =	vst v1  }
0x8a: {  	v1 =	vld [tilespmem:s30+$0xFFFFFF20];
	[tilespmem:s28+$0xFFFFFE10] =	vst v2  }
0x8b: {  	[tilespmem:s28+$0x90] =	vst v3;
	v3 =	vld [tilespmem:s30+$0xFFFFFFA0]  }
0x8c: {  	[tilespmem:s28+$0x110] =	vst v4;
	v2 =	vld [tilespmem:s30+$0xFFFFFE20]  }
0x8d: {  	v4 =	vld [tilespmem:s30+$0x20];
	[tilespmem:s28+$0x1A0] =	vst v0  }
0x8e: {  	[tilespmem:s28+$0xFFFFFEA0] =	vst v5;
	v0 =	vld [tilespmem:s30+$0x1B0]  }
0x8f: {  	v5 =	vld [tilespmem:s30+$0xA0];
	[tilespmem:s28+$0xFFFFFF20] =	vst v1  }
0x90: {  	v6 =	vld [tilespmem:s30+$0x120];
	[tilespmem:s28+$0xFFFFFFA0] =	vst v3  }
0x91: {  	v7 =	vld [tilespmem:s30+$0xFFFFFEB0];
	[tilespmem:s28+$0xFFFFFE20] =	vst v2  }
0x92: {  	[tilespmem:s28+$0x20] =	vst v4;
	v8 =	vld [tilespmem:s30+$0xFFFFFE30]  }
0x93: {  	[tilespmem:s28+$0x1B0] =	vst v0;
	v0 =	vld [tilespmem:s30+$0xFFFFFF30]  }
0x94: {  	v1 =	vld [tilespmem:s30+$0xFFFFFFB0];
	[tilespmem:s28+$0xA0] =	vst v5  }
0x95: {  	v2 =	vld [tilespmem:s30+$0x30];
	[tilespmem:s28+$0x120] =	vst v6  }
0x96: {  	[tilespmem:s28+$0xFFFFFEB0] =	vst v7;
	v3 =	vld [tilespmem:s30+$0xB0]  }
0x97: {  	s29 =	simm.s32 $0x0;
	v4 =	vld [tilespmem:s30+$0x130];
	s30 =	simm.s32 $0x8800;
	[tilespmem:s28+$0xFFFFFE30] =	vst v8  }
.LBB2_5:
0x98: {  	v5 =	vld [tilespmem:s30+$0x180];
	s29 =	sadd.s32 $0x8, s29;
	[tilespmem:s28+$0xFFFFFF30] =	vst v0  }
0x99: {  	v0 =	vld [tilespmem:s30+$0xFFFFFE80];
	p0 =	slt.u32 s29, $0xF8;
	[tilespmem:s28+$0xFFFFFFB0] =	vst v1  }
0x9a: {  	v1 =	vld [tilespmem:s30+$0xFFFFFF00];
	[tilespmem:s28+$0x30] =	vst v2  }
0x9b: {  	v2 =	vld [tilespmem:s30+$0xFFFFFF80];
	[tilespmem:s28+$0xB0] =	vst v3  }
0x9c: {  	v3 =	vld [tilespmem:s30+$0x0];
	[tilespmem:s28+$0x130] =	vst v4;
	s28 =	sadd.s32 $0x400, s28  }
0x9d: {  	v4 =	vld [tilespmem:s30+$0x80];
	[tilespmem:s28+$0x180] =	vst v5  }
0x9e: {  	[tilespmem:s28+$0xFFFFFE80] =	vst v0;
	v0 =	vld [tilespmem:s30+$0x190]  }
0x9f: {  	[tilespmem:s28+$0xFFFFFF00] =	vst v1;
	v1 =	vld [tilespmem:s30+$0x100]  }
0xa0: {  	v5 =	vld [tilespmem:s30+$0xFFFFFE00];
	[tilespmem:s28+$0xFFFFFF80] =	vst v2  }
0xa1: {  	v2 =	vld [tilespmem:s30+$0xFFFFFE90];
	[tilespmem:s28+$0x0] =	vst v3  }
0xa2: {  	v3 =	vld [tilespmem:s30+$0xFFFFFF10];
	[tilespmem:s28+$0x80] =	vst v4  }
0xa3: {  	v4 =	vld [tilespmem:s30+$0xFFFFFF90];
	[tilespmem:s28+$0x190] =	vst v0  }
0xa4: {  	[tilespmem:s28+$0x100] =	vst v1;
	v0 =	vld [tilespmem:s30+$0x1A0]  }
0xa5: {  	[tilespmem:s28+$0xFFFFFE00] =	vst v5;
	v1 =	vld [tilespmem:s30+$0x10]  }
0xa6: {  	v5 =	vld [tilespmem:s30+$0xFFFFFE10];
	[tilespmem:s28+$0xFFFFFE90] =	vst v2  }
0xa7: {  	[tilespmem:s28+$0xFFFFFF10] =	vst v3;
	v2 =	vld [tilespmem:s30+$0x90]  }
0xa8: {  	[tilespmem:s28+$0xFFFFFF90] =	vst v4;
	v3 =	vld [tilespmem:s30+$0x110]  }
0xa9: {  	v4 =	vld [tilespmem:s30+$0xFFFFFEA0];
	[tilespmem:s28+$0x1A0] =	vst v0  }
0xaa: {  	[tilespmem:s28+$0x10] =	vst v1;
	v0 =	vld [tilespmem:s30+$0x1B0]  }
0xab: {  	[tilespmem:s28+$0xFFFFFE10] =	vst v5;
	v1 =	vld [tilespmem:s30+$0xFFFFFF20]  }
0xac: {  	v5 =	vld [tilespmem:s30+$0xFFFFFE20];
	[tilespmem:s28+$0x90] =	vst v2  }
0xad: {  	v2 =	vld [tilespmem:s30+$0xFFFFFFA0];
	[tilespmem:s28+$0x110] =	vst v3  }
0xae: {  	[tilespmem:s28+$0xFFFFFEA0] =	vst v4;
	v3 =	vld [tilespmem:s30+$0x20]  }
0xaf: {  	v4 =	vld [tilespmem:s30+$0xA0];
	[tilespmem:s28+$0x1B0] =	vst v0  }
0xb0: {  	[tilespmem:s28+$0xFFFFFF20] =	vst v1;
	v6 =	vld [tilespmem:s30+$0x120]  }
0xb1: {  	[tilespmem:s28+$0xFFFFFE20] =	vst v5;
	v5 =	vld [tilespmem:s30+$0xFFFFFEB0]  }
0xb2: {  	v7 =	vld [tilespmem:s30+$0xFFFFFE30];
	[tilespmem:s28+$0xFFFFFFA0] =	vst v2  }
.Ltmp1:
0xb3: {  	v0 =	vld [tilespmem:s30+$0xFFFFFF30];
	[tilespmem:s28+$0x20] =	vst v3;
	(pc) =	sbr.rel @p0 .LBB2_5-.Ltmp1, $4  }
0xb4: {  	v1 =	vld [tilespmem:s30+$0xFFFFFFB0];
	[tilespmem:s28+$0xA0] =	vst v4  }
0xb5: {  	v2 =	vld [tilespmem:s30+$0x30];
	[tilespmem:s28+$0x120] =	vst v6  }
0xb6: {  	[tilespmem:s28+$0xFFFFFEB0] =	vst v5;
	v3 =	vld [tilespmem:s30+$0xB0]  }
0xb7: {  	[tilespmem:s28+$0xFFFFFE30] =	vst v7;
	v4 =	vld [tilespmem:s30+$0x130];
	s30 =	sadd.s32 $0x400, s30  }
0xb8: {  	[tilespmem:s28+$0xFFFFFF30] =	vst v0  }
0xb9: {  	[tilespmem:s28+$0xFFFFFFB0] =	vst v1  }
0xba: {  	s25 =	sadd.s32 $0x1, s25;
	[tilespmem:s28+$0x30] =	vst v2  }
0xbb: {  	s26 =	sshll.u32 s26, $0x4;
	p0 =	sne.s32 s25, $0x31;
	[tilespmem:s28+$0xB0] =	vst v3  }
.Ltmp2:
0xbc: {  	s26 =	sadd.s32 s7, s26;
	[tilespmem:s28+$0x130] =	vst v4;
	(pc) =	sbr.rel @p0 .LBB2_2-.Ltmp2, $4  }
0xbd: {  	[hbm4b:s26+s3] =	stream.linear.scatter [tilespmem:s23], [sflag:$0x2], $0x8000, $0x38;
	[tilespmem:$0x18200] =	vst v63  }
0xbe: {  	_ =	swait.ge [sflag:s14], $0x8000  }
0xbf: {  	[sflag:s14] =	ssyncset.done $0x0  }
0xc0: {  	[sflag:s14] =	ssyncadd.s32 $0xFFFF8000  }
0xc1: {  	[tilespmem:s18], [sflag:$0x2] =	stream.linear.gather [hbm4b:s10+s3], $0x100, $0x38;
	[tilespmem:$0x18200] =	vst v63  }
0xc2: {  	_ =	swait.ge [sflag:s14], $0x100  }
0xc3: {  	[sflag:s14] =	ssyncset.done $0x0  }
0xc4: {  	[sflag:s14] =	ssyncadd.s32 $0xFFFFFF00  }
0xc5: {  	[tilespmem:s19], [sflag:$0x1] =	stream.indirect.gather [hbm4b:s5+s15], $0x80, s18, s15, $0xb8;
	[tilespmem:$0x18200] =	vst v63  }
0xc6: {  	_ = 	snop  }
0xc7: {  	[tilespmem:s21], [sflag:$0x1] =	stream.indirect.gather [hbm4b:s5+s15], $0x80, s20, s15, $0xb8;
	[tilespmem:$0x18200] =	vst v63  }
0xc8: {  	_ =	swait.ge [sflag:s22], $0x8000  }
0xc9: {  	[sflag:s22] =	ssyncset.done $0x0  }
0xca: {  	s28 =	simm.s32 $0x400;
	[sflag:s22] =	ssyncadd.s32 $0xFFFF8000  }
0xcb: {  	v0 =	vld [tilespmem:s28+$0x180]  }
0xcc: {  	v1 =	vld [tilespmem:s28+$0xFFFFFE80]  }
0xcd: {  	v2 =	vld [tilespmem:s28+$0xFFFFFF00]  }
0xce: {  	v3 =	vld [tilespmem:s28+$0xFFFFFF80]  }
0xcf: {  	s25 =	simm.s32 $0x10400;
	v4 =	vld [tilespmem:s28+$0x0]  }
0xd0: {  	v5 =	vld [tilespmem:s28+$0x80];
	[tilespmem:s25+$0x180] =	vst v0  }
0xd1: {  	[tilespmem:s25+$0xFFFFFE80] =	vst v1;
	v1 =	vld [tilespmem:s28+$0x100]  }
0xd2: {  	[tilespmem:s25+$0xFFFFFF00] =	vst v2;
	v2 =	vld [tilespmem:s28+$0xFFFFFE00]  }
0xd3: {  	[tilespmem:s25+$0xFFFFFF80] =	vst v3;
	v0 =	vld [tilespmem:s28+$0x190]  }
0xd4: {  	[tilespmem:s25+$0x0] =	vst v4;
	v3 =	vld [tilespmem:s28+$0xFFFFFE90]  }
0xd5: {  	[tilespmem:s25+$0x80] =	vst v5;
	v4 =	vld [tilespmem:s28+$0xFFFFFF10]  }
0xd6: {  	v5 =	vld [tilespmem:s28+$0xFFFFFF90];
	[tilespmem:s25+$0x100] =	vst v1  }
0xd7: {  	[tilespmem:s25+$0xFFFFFE00] =	vst v2;
	v1 =	vld [tilespmem:s28+$0x10]  }
0xd8: {  	[tilespmem:s25+$0x190] =	vst v0;
	v2 =	vld [tilespmem:s28+$0xFFFFFE10]  }
0xd9: {  	[tilespmem:s25+$0xFFFFFE90] =	vst v3;
	v3 =	vld [tilespmem:s28+$0x90]  }
0xda: {  	[tilespmem:s25+$0xFFFFFF10] =	vst v4;
	v4 =	vld [tilespmem:s28+$0x110]  }
0xdb: {  	[tilespmem:s25+$0xFFFFFF90] =	vst v5;
	v0 =	vld [tilespmem:s28+$0x1A0]  }
0xdc: {  	v5 =	vld [tilespmem:s28+$0xFFFFFEA0];
	[tilespmem:s25+$0x10] =	vst v1  }
0xdd: {  	v1 =	vld [tilespmem:s28+$0xFFFFFF20];
	[tilespmem:s25+$0xFFFFFE10] =	vst v2  }
0xde: {  	[tilespmem:s25+$0x90] =	vst v3;
	v3 =	vld [tilespmem:s28+$0xFFFFFFA0]  }
0xdf: {  	[tilespmem:s25+$0x110] =	vst v4;
	v2 =	vld [tilespmem:s28+$0xFFFFFE20]  }
0xe0: {  	v4 =	vld [tilespmem:s28+$0x20];
	[tilespmem:s25+$0x1A0] =	vst v0  }
0xe1: {  	[tilespmem:s25+$0xFFFFFEA0] =	vst v5;
	v0 =	vld [tilespmem:s28+$0x1B0]  }
0xe2: {  	v5 =	vld [tilespmem:s28+$0xA0];
	[tilespmem:s25+$0xFFFFFF20] =	vst v1  }
0xe3: {  	v6 =	vld [tilespmem:s28+$0x120];
	[tilespmem:s25+$0xFFFFFFA0] =	vst v3  }
0xe4: {  	v7 =	vld [tilespmem:s28+$0xFFFFFEB0];
	[tilespmem:s25+$0xFFFFFE20] =	vst v2  }
0xe5: {  	[tilespmem:s25+$0x20] =	vst v4;
	v8 =	vld [tilespmem:s28+$0xFFFFFE30]  }
0xe6: {  	[tilespmem:s25+$0x1B0] =	vst v0;
	v0 =	vld [tilespmem:s28+$0xFFFFFF30]  }
0xe7: {  	v1 =	vld [tilespmem:s28+$0xFFFFFFB0];
	[tilespmem:s25+$0xA0] =	vst v5  }
0xe8: {  	v2 =	vld [tilespmem:s28+$0x30];
	[tilespmem:s25+$0x120] =	vst v6  }
0xe9: {  	[tilespmem:s25+$0xFFFFFEB0] =	vst v7;
	v3 =	vld [tilespmem:s28+$0xB0]  }
0xea: {  	s26 =	simm.s32 $0x0;
	v4 =	vld [tilespmem:s28+$0x130];
	s28 =	simm.s32 $0x800;
	[tilespmem:s25+$0xFFFFFE30] =	vst v8  }
.LBB2_8:
0xeb: {  	v5 =	vld [tilespmem:s28+$0x180];
	s26 =	sadd.s32 $0x8, s26;
	[tilespmem:s25+$0xFFFFFF30] =	vst v0  }
0xec: {  	v0 =	vld [tilespmem:s28+$0xFFFFFE80];
	p0 =	slt.u32 s26, $0xF8;
	[tilespmem:s25+$0xFFFFFFB0] =	vst v1  }
0xed: {  	v1 =	vld [tilespmem:s28+$0xFFFFFF00];
	[tilespmem:s25+$0x30] =	vst v2  }
0xee: {  	v2 =	vld [tilespmem:s28+$0xFFFFFF80];
	[tilespmem:s25+$0xB0] =	vst v3  }
0xef: {  	v3 =	vld [tilespmem:s28+$0x0];
	[tilespmem:s25+$0x130] =	vst v4;
	s25 =	sadd.s32 $0x400, s25  }
0xf0: {  	v4 =	vld [tilespmem:s28+$0x80];
	[tilespmem:s25+$0x180] =	vst v5  }
0xf1: {  	[tilespmem:s25+$0xFFFFFE80] =	vst v0;
	v0 =	vld [tilespmem:s28+$0x190]  }
0xf2: {  	[tilespmem:s25+$0xFFFFFF00] =	vst v1;
	v1 =	vld [tilespmem:s28+$0x100]  }
0xf3: {  	v5 =	vld [tilespmem:s28+$0xFFFFFE00];
	[tilespmem:s25+$0xFFFFFF80] =	vst v2  }
0xf4: {  	v2 =	vld [tilespmem:s28+$0xFFFFFE90];
	[tilespmem:s25+$0x0] =	vst v3  }
0xf5: {  	v3 =	vld [tilespmem:s28+$0xFFFFFF10];
	[tilespmem:s25+$0x80] =	vst v4  }
0xf6: {  	v4 =	vld [tilespmem:s28+$0xFFFFFF90];
	[tilespmem:s25+$0x190] =	vst v0  }
0xf7: {  	[tilespmem:s25+$0x100] =	vst v1;
	v0 =	vld [tilespmem:s28+$0x1A0]  }
0xf8: {  	[tilespmem:s25+$0xFFFFFE00] =	vst v5;
	v1 =	vld [tilespmem:s28+$0x10]  }
0xf9: {  	v5 =	vld [tilespmem:s28+$0xFFFFFE10];
	[tilespmem:s25+$0xFFFFFE90] =	vst v2  }
0xfa: {  	[tilespmem:s25+$0xFFFFFF10] =	vst v3;
	v2 =	vld [tilespmem:s28+$0x90]  }
0xfb: {  	[tilespmem:s25+$0xFFFFFF90] =	vst v4;
	v3 =	vld [tilespmem:s28+$0x110]  }
0xfc: {  	v4 =	vld [tilespmem:s28+$0xFFFFFEA0];
	[tilespmem:s25+$0x1A0] =	vst v0  }
0xfd: {  	[tilespmem:s25+$0x10] =	vst v1;
	v0 =	vld [tilespmem:s28+$0x1B0]  }
0xfe: {  	[tilespmem:s25+$0xFFFFFE10] =	vst v5;
	v1 =	vld [tilespmem:s28+$0xFFFFFF20]  }
0xff: {  	v5 =	vld [tilespmem:s28+$0xFFFFFE20];
	[tilespmem:s25+$0x90] =	vst v2  }
0x100: {  	v2 =	vld [tilespmem:s28+$0xFFFFFFA0];
	[tilespmem:s25+$0x110] =	vst v3  }
0x101: {  	[tilespmem:s25+$0xFFFFFEA0] =	vst v4;
	v3 =	vld [tilespmem:s28+$0x20]  }
0x102: {  	v4 =	vld [tilespmem:s28+$0xA0];
	[tilespmem:s25+$0x1B0] =	vst v0  }
0x103: {  	[tilespmem:s25+$0xFFFFFF20] =	vst v1;
	v6 =	vld [tilespmem:s28+$0x120]  }
0x104: {  	[tilespmem:s25+$0xFFFFFE20] =	vst v5;
	v5 =	vld [tilespmem:s28+$0xFFFFFEB0]  }
0x105: {  	v7 =	vld [tilespmem:s28+$0xFFFFFE30];
	[tilespmem:s25+$0xFFFFFFA0] =	vst v2  }
.Ltmp3:
0x106: {  	v0 =	vld [tilespmem:s28+$0xFFFFFF30];
	[tilespmem:s25+$0x20] =	vst v3;
	(pc) =	sbr.rel @p0 .LBB2_8-.Ltmp3, $4  }
0x107: {  	v1 =	vld [tilespmem:s28+$0xFFFFFFB0];
	[tilespmem:s25+$0xA0] =	vst v4  }
0x108: {  	v2 =	vld [tilespmem:s28+$0x30];
	[tilespmem:s25+$0x120] =	vst v6  }
0x109: {  	[tilespmem:s25+$0xFFFFFEB0] =	vst v5;
	v3 =	vld [tilespmem:s28+$0xB0]  }
0x10a: {  	[tilespmem:s25+$0xFFFFFE30] =	vst v7;
	v4 =	vld [tilespmem:s28+$0x130];
	s28 =	sadd.s32 $0x400, s28  }
0x10b: {  	[tilespmem:s25+$0xFFFFFF30] =	vst v0  }
0x10c: {  	[tilespmem:s25+$0xFFFFFFB0] =	vst v1  }
0x10d: {  	[tilespmem:s25+$0x30] =	vst v2  }
0x10e: {  	[tilespmem:s25+$0xB0] =	vst v3  }
0x10f: {  	[tilespmem:s25+$0x130] =	vst v4  }
0x110: {  	[hbm4b:s11+s3] =	stream.linear.scatter [tilespmem:s23], [sflag:$0x2], $0x8000, $0x38;
	[tilespmem:$0x18200] =	vst v63  }
0x111: {  	_ =	swait.ge [sflag:s14], $0x8000  }
0x112: {  	[sflag:s14] =	ssyncset.done $0x0  }
0x113: {  	[sflag:s14] =	ssyncadd.s32 $0xFFFF8000  }
0x114: {  	_ =	swait.ge [sflag:s22], $0x8000  }
0x115: {  	[sflag:s22] =	ssyncset.done $0x0  }
0x116: {  	s28 =	simm.s32 $0x8400;
	[sflag:s22] =	ssyncadd.s32 $0xFFFF8000  }
0x117: {  	v0 =	vld [tilespmem:s28+$0x180]  }
0x118: {  	v1 =	vld [tilespmem:s28+$0xFFFFFE80]  }
0x119: {  	v2 =	vld [tilespmem:s28+$0xFFFFFF00]  }
0x11a: {  	v3 =	vld [tilespmem:s28+$0xFFFFFF80]  }
0x11b: {  	s25 =	simm.s32 $0x10400;
	v4 =	vld [tilespmem:s28+$0x0]  }
0x11c: {  	v5 =	vld [tilespmem:s28+$0x80];
	[tilespmem:s25+$0x180] =	vst v0  }
0x11d: {  	[tilespmem:s25+$0xFFFFFE80] =	vst v1;
	v1 =	vld [tilespmem:s28+$0x100]  }
0x11e: {  	[tilespmem:s25+$0xFFFFFF00] =	vst v2;
	v2 =	vld [tilespmem:s28+$0xFFFFFE00]  }
0x11f: {  	[tilespmem:s25+$0xFFFFFF80] =	vst v3;
	v0 =	vld [tilespmem:s28+$0x190]  }
0x120: {  	[tilespmem:s25+$0x0] =	vst v4;
	v3 =	vld [tilespmem:s28+$0xFFFFFE90]  }
0x121: {  	[tilespmem:s25+$0x80] =	vst v5;
	v4 =	vld [tilespmem:s28+$0xFFFFFF10]  }
0x122: {  	v5 =	vld [tilespmem:s28+$0xFFFFFF90];
	[tilespmem:s25+$0x100] =	vst v1  }
0x123: {  	[tilespmem:s25+$0xFFFFFE00] =	vst v2;
	v1 =	vld [tilespmem:s28+$0x10]  }
0x124: {  	[tilespmem:s25+$0x190] =	vst v0;
	v2 =	vld [tilespmem:s28+$0xFFFFFE10]  }
0x125: {  	[tilespmem:s25+$0xFFFFFE90] =	vst v3;
	v3 =	vld [tilespmem:s28+$0x90]  }
0x126: {  	[tilespmem:s25+$0xFFFFFF10] =	vst v4;
	v4 =	vld [tilespmem:s28+$0x110]  }
0x127: {  	[tilespmem:s25+$0xFFFFFF90] =	vst v5;
	v0 =	vld [tilespmem:s28+$0x1A0]  }
0x128: {  	v5 =	vld [tilespmem:s28+$0xFFFFFEA0];
	[tilespmem:s25+$0x10] =	vst v1  }
0x129: {  	v1 =	vld [tilespmem:s28+$0xFFFFFF20];
	[tilespmem:s25+$0xFFFFFE10] =	vst v2  }
0x12a: {  	[tilespmem:s25+$0x90] =	vst v3;
	v3 =	vld [tilespmem:s28+$0xFFFFFFA0]  }
0x12b: {  	[tilespmem:s25+$0x110] =	vst v4;
	v2 =	vld [tilespmem:s28+$0xFFFFFE20]  }
0x12c: {  	v4 =	vld [tilespmem:s28+$0x20];
	[tilespmem:s25+$0x1A0] =	vst v0  }
0x12d: {  	[tilespmem:s25+$0xFFFFFEA0] =	vst v5;
	v0 =	vld [tilespmem:s28+$0x1B0]  }
0x12e: {  	v5 =	vld [tilespmem:s28+$0xA0];
	[tilespmem:s25+$0xFFFFFF20] =	vst v1  }
0x12f: {  	v6 =	vld [tilespmem:s28+$0x120];
	[tilespmem:s25+$0xFFFFFFA0] =	vst v3  }
0x130: {  	v7 =	vld [tilespmem:s28+$0xFFFFFEB0];
	[tilespmem:s25+$0xFFFFFE20] =	vst v2  }
0x131: {  	[tilespmem:s25+$0x20] =	vst v4;
	v8 =	vld [tilespmem:s28+$0xFFFFFE30]  }
0x132: {  	[tilespmem:s25+$0x1B0] =	vst v0;
	v0 =	vld [tilespmem:s28+$0xFFFFFF30]  }
0x133: {  	v1 =	vld [tilespmem:s28+$0xFFFFFFB0];
	[tilespmem:s25+$0xA0] =	vst v5  }
0x134: {  	v2 =	vld [tilespmem:s28+$0x30];
	[tilespmem:s25+$0x120] =	vst v6  }
0x135: {  	[tilespmem:s25+$0xFFFFFEB0] =	vst v7;
	v3 =	vld [tilespmem:s28+$0xB0]  }
0x136: {  	s26 =	simm.s32 $0x0;
	v4 =	vld [tilespmem:s28+$0x130];
	s28 =	simm.s32 $0x8800;
	[tilespmem:s25+$0xFFFFFE30] =	vst v8  }
.LBB2_10:
0x137: {  	v5 =	vld [tilespmem:s28+$0x180];
	s26 =	sadd.s32 $0x8, s26;
	[tilespmem:s25+$0xFFFFFF30] =	vst v0  }
0x138: {  	v0 =	vld [tilespmem:s28+$0xFFFFFE80];
	p0 =	slt.u32 s26, $0xF8;
	[tilespmem:s25+$0xFFFFFFB0] =	vst v1  }
0x139: {  	v1 =	vld [tilespmem:s28+$0xFFFFFF00];
	[tilespmem:s25+$0x30] =	vst v2  }
0x13a: {  	v2 =	vld [tilespmem:s28+$0xFFFFFF80];
	[tilespmem:s25+$0xB0] =	vst v3  }
0x13b: {  	v3 =	vld [tilespmem:s28+$0x0];
	[tilespmem:s25+$0x130] =	vst v4;
	s25 =	sadd.s32 $0x400, s25  }
0x13c: {  	v4 =	vld [tilespmem:s28+$0x80];
	[tilespmem:s25+$0x180] =	vst v5  }
0x13d: {  	[tilespmem:s25+$0xFFFFFE80] =	vst v0;
	v0 =	vld [tilespmem:s28+$0x190]  }
0x13e: {  	[tilespmem:s25+$0xFFFFFF00] =	vst v1;
	v1 =	vld [tilespmem:s28+$0x100]  }
0x13f: {  	v5 =	vld [tilespmem:s28+$0xFFFFFE00];
	[tilespmem:s25+$0xFFFFFF80] =	vst v2  }
0x140: {  	v2 =	vld [tilespmem:s28+$0xFFFFFE90];
	[tilespmem:s25+$0x0] =	vst v3  }
0x141: {  	v3 =	vld [tilespmem:s28+$0xFFFFFF10];
	[tilespmem:s25+$0x80] =	vst v4  }
0x142: {  	v4 =	vld [tilespmem:s28+$0xFFFFFF90];
	[tilespmem:s25+$0x190] =	vst v0  }
0x143: {  	[tilespmem:s25+$0x100] =	vst v1;
	v0 =	vld [tilespmem:s28+$0x1A0]  }
0x144: {  	[tilespmem:s25+$0xFFFFFE00] =	vst v5;
	v1 =	vld [tilespmem:s28+$0x10]  }
0x145: {  	v5 =	vld [tilespmem:s28+$0xFFFFFE10];
	[tilespmem:s25+$0xFFFFFE90] =	vst v2  }
0x146: {  	[tilespmem:s25+$0xFFFFFF10] =	vst v3;
	v2 =	vld [tilespmem:s28+$0x90]  }
0x147: {  	[tilespmem:s25+$0xFFFFFF90] =	vst v4;
	v3 =	vld [tilespmem:s28+$0x110]  }
0x148: {  	v4 =	vld [tilespmem:s28+$0xFFFFFEA0];
	[tilespmem:s25+$0x1A0] =	vst v0  }
0x149: {  	[tilespmem:s25+$0x10] =	vst v1;
	v0 =	vld [tilespmem:s28+$0x1B0]  }
0x14a: {  	[tilespmem:s25+$0xFFFFFE10] =	vst v5;
	v1 =	vld [tilespmem:s28+$0xFFFFFF20]  }
0x14b: {  	v5 =	vld [tilespmem:s28+$0xFFFFFE20];
	[tilespmem:s25+$0x90] =	vst v2  }
0x14c: {  	v2 =	vld [tilespmem:s28+$0xFFFFFFA0];
	[tilespmem:s25+$0x110] =	vst v3  }
0x14d: {  	[tilespmem:s25+$0xFFFFFEA0] =	vst v4;
	v3 =	vld [tilespmem:s28+$0x20]  }
0x14e: {  	v4 =	vld [tilespmem:s28+$0xA0];
	[tilespmem:s25+$0x1B0] =	vst v0  }
0x14f: {  	[tilespmem:s25+$0xFFFFFF20] =	vst v1;
	v6 =	vld [tilespmem:s28+$0x120]  }
0x150: {  	[tilespmem:s25+$0xFFFFFE20] =	vst v5;
	v5 =	vld [tilespmem:s28+$0xFFFFFEB0]  }
0x151: {  	v7 =	vld [tilespmem:s28+$0xFFFFFE30];
	[tilespmem:s25+$0xFFFFFFA0] =	vst v2  }
.Ltmp4:
0x152: {  	v0 =	vld [tilespmem:s28+$0xFFFFFF30];
	[tilespmem:s25+$0x20] =	vst v3;
	(pc) =	sbr.rel @p0 .LBB2_10-.Ltmp4, $4  }
0x153: {  	v1 =	vld [tilespmem:s28+$0xFFFFFFB0];
	[tilespmem:s25+$0xA0] =	vst v4  }
0x154: {  	v2 =	vld [tilespmem:s28+$0x30];
	[tilespmem:s25+$0x120] =	vst v6  }
0x155: {  	[tilespmem:s25+$0xFFFFFEB0] =	vst v5;
	v3 =	vld [tilespmem:s28+$0xB0]  }
0x156: {  	[tilespmem:s25+$0xFFFFFE30] =	vst v7;
	v4 =	vld [tilespmem:s28+$0x130];
	s28 =	sadd.s32 $0x400, s28  }
0x157: {  	[tilespmem:s25+$0xFFFFFF30] =	vst v0  }
0x158: {  	[tilespmem:s25+$0xFFFFFFB0] =	vst v1  }
0x159: {  	s24 =	sadd.s32 $0x1, s24;
	[tilespmem:s25+$0x30] =	vst v2  }
0x15a: {  	p0 =	sne.s32 s24, s13;
	[tilespmem:s25+$0xB0] =	vst v3  }
.Ltmp5:
0x15b: {  	[tilespmem:s25+$0x130] =	vst v4;
	(pc) =	sbr.rel @p0 .LBB2_1-.Ltmp5, $4  }
0x15c: {  	[hbm4b:s12+s3] =	stream.linear.scatter [tilespmem:s23], [sflag:$0x2], $0x8000, $0x38;
	[tilespmem:$0x18200] =	vst v63  }
0x15d: {  	_ =	swait.ge [sflag:s14], $0x8000  }
0x15e: {  	[sflag:s14] =	ssyncset.done $0x0  }
0x15f: {  	[sflag:s14] =	ssyncadd.s32 $0xFFFF8000  }
0x160: {  	_ =	sfence.sel $0x180000  }
0x161: {  	[bflag:$0x0] =	sbarrier.arrive $0xFFFF  }
0x162: {  	p0 =	sne.s32 s0, $0x0;
	_ =	strace $0x90000047  }
0x163: {  	s0 =	sadd.s32 @!p0 $0x100000, s1;
	[bflag:$0x2] =	sbarrier.arrive $0xFFFF  }
0x164: {  	[sflag:s0] =	ssyncadd.tile.s32 @!p0 $0x1;
	_ =	shalt  }
.Lfunc_end2:
_tile_overlayer_lowered:
.L_overlay_start_2:
0x165: {  	(tag) =	ssettag $0x2  }
0x166: {  	s0 =	rddreg [dreg:$0x0];
	s2 =	stileid.u32  }
0x167: {  	s1 =	rddreg [dreg:$0x1];
	p0 =	sne.s32 s2, $0x0  }
0x168: {  	s3 =	rddreg [dreg:$0x2];
	[bflag:$0x3] =	sbarrier.arrive $0xFFFF;
	s2 =	simm.s32 @!p0 $0x1C02  }
0x169: {  	[timem:s3], [sflag:s2] =	dma.local @!p0 [hbm:s0], s1  }
0x16a: {  	s0 =	simm.s32 @!p0 $0x2  }
0x16b: {  	_ =	swait.ge @!p0 [sflag:s0], s1  }
0x16c: {  	s1 =	ssub.s32 @!p0 $0x0, s1;
	[sflag:s0] =	ssyncset.done @!p0 $0x0  }
0x16d: {  	[sflag:s0] =	ssyncadd.s32 @!p0 s1  }
0x16e: {  	[bflag:$0x3] =	sbarrier.arrive $0xFFFF  }
0x16f: {  	_ =	shalt  }

// kernel: sparse-core-data-format-call.cloned.1.call-start
scs
called_computation_lowered:
.L_overlay_start_0:
0x0: {  	s2 =	sld [smem:$0x3FD9]  }
0x1: {  	s3 =	sld [smem:$0x3FFE];
	_ =	sdelay $0x1  }
0x2: {  	s1 =	srdreg.scid  }
0x3: {  	s0 =	sand.u32 $0x1, s1  }
0x4: {  	s18 =	sshll.u32 s0, $0xA;
	s2 =	sadd.s32 s3, s2  }
0x5: {  	s2 =	sadd.s32 s2, s18  }
0x6: {  	[smem:$0x3FC6] =	sst s2  }
0x7: {  	_ = 	snop  }
0x8: {  	s2 =	sld [smem:$0x3FD0];
	(tm) =	ssettm $0x1  }
0x9: {  	s19 =	sld [smem:$0x3FFB];
	_ =	sdelay $0x3  }
0xa: {  	_ =	strace s19  }
0xb: {  	s3 =	sld [smem:$0x3FFC];
	_ =	sdelay $0x3  }
0xc: {  	_ =	strace s3  }
0xd: {  	s3 =	sld [smem:$0x3FFD];
	_ =	sdelay $0x3  }
0xe: {  	_ =	strace s3  }
0xf: {  	_ =	strace $0x8FFFFFFF  }
0x10: {  	s20 =	sld [smem:$0x3FDB];
	_ =	sdelay $0x1  }
0x11: {  	s4 =	simm.s32 $_scs_section_size  }
0x12: {  	s5 =	simm.s32 $_size__tile_overlayer_lowered;
	s6 =	simm.s32 $_tile_overlayer_lowered  }
0x13: {  	s23 =	simm.s32 $0x1BFF;
	s22 =	sshll.u32 s6, $0x1;
	s3 =	sadd.s32 s4, s20  }
0x14: {  	s7 =	simm.s32 $0x0;
	s21 =	sshll.u32 s5, $0x1;
	s5 =	sadd.s32 s22, s3  }
0x15: {  	[timem:s7], [sflag:s23] =	dma.local [hbm:s5], s21  }
0x16: {  	_ =	swait.ge [sflag:s23], s21  }
0x17: {  	s4 =	ssub.s32 $0x0, s21;
	[sflag:s23] =	ssyncset.done $0x0  }
0x18: {  	[sflag:s23] =	ssyncadd.s32 s4;
	_ =	sdelay $0x1  }
0x19: {  	s24 =	simm.s32 $0x1B8B  }
0x1a: {  	_ =	swait.ge [sflag:s24], $0x1  }
0x1b: {  	[sflag:s24] =	ssyncset.done $0x0  }
0x1c: {  	s26 =	simm.s32 $0x1B8E;
	s25 =	sld [smem:$0x3FFE];
	[sflag:s24] =	ssyncadd.s32 $0xFFFFFFFF  }
0x1d: {  	s27 =	simm.s32 $execute0_lowered;
	[smem:$0x3FD2] =	sst s26  }
0x1e: {  	s5 =	sshll.u32 s27, $0x1;
	_ =	strace $0x80000049;
	[dreg:$0x1] =	wrdreg $0xFFFFFFFF  }
0x1f: {  	s28 =	simm.s32 $_size_execute0_lowered;
	s3 =	sadd.s32 s3, s5;
	[dreg:$0x0] =	wrdreg $0x0  }
0x20: {  	s5 =	sshll.u32 s28, $0x1;
	[dreg:$0x2] =	wrdreg s3  }
0x21: {  	[dreg:$0x3] =	wrdreg s5  }
0x22: {  	[dreg:$0x4] =	wrdreg $0xC0  }
0x23: {  	_ =	task [dreg:s7], $0x5FFFF  }
0x24: {  	[dreg:$0x1] =	wrdreg $0xFFFFFFFF  }
0x25: {  	[dreg:$0x0] =	wrdreg $0x60  }
0x26: {  	[dreg:$0x2] =	wrdreg s25  }
0x27: {  	[dreg:$0x3] =	wrdreg s2  }
0x28: {  	[dreg:$0x4] =	wrdreg $0x9  }
0x29: {  	_ =	task.clear_ibuf [dreg:s7], $0x5FFFF;
	_ =	strace $0x90000049  }
0x2a: {  	s29 =	simm.s32 $0x9;
	_ =	strace $0x8000004B  }
0x2b: {  	_ =	swait.ge [sflag:s29], $0x1  }
0x2c: {  	[sflag:s29] =	ssyncadd.s32 $0xFFFFFFFF  }
0x2d: {  	_ =	strace $0x9000004B  }
0x2e: {  	_ =	sfence  }
0x2f: {  	s30 =	sld [smem:$0x0];
	_ =	sdelay $0x2  }
0x30: {  	s31 =	sshll.u32 s1, $0xD;
	s1 =	sshrl.u32 s1, $0x2  }
0x31: {  	s3 =	sand.u32 $0x4000, s31;
	s1 =	sadd.s32 s1, s30  }
0x32: {  	s0 =	sor.u32 s3, s0;
	s1 =	sshll.u32 s1, $0x11  }
0x33: {  	s0 =	sor.u32 s1, s0  }
0x34: {  	s0 =	sadd.s32 $0x8F2B, s0  }
0x35: {  	[sflag:s0] =	ssyncadd.remote.s32 $0x1  }
0x36: {  	_ =	sfence.sel $0xFFFF  }
0x37: {  	[dreg:$0x0] =	wrdreg $0xFFFFFFFF;
	(pc) =	sbr.abs _section_cstart, $3  }
0x38: {  	[dreg:$0x1] =	wrdreg $0xFFFFFFFF  }
0x39: {  	_ =	task.clear_ibuf [dreg:s7], $0x2FFFF;
	_ =	strace $0x9FFFFFFF  }
0x3a: {  	(tm) =	ssettm $0x7FFFFFFF  }
0x3b: {  	_ =	shalt  }
tec
execute0_lowered:
.L_overlay_start_1:
0x0: {  	(tag) =	ssettag $0x1  }
0x1: {  	s0 =	srdreg.scid  }
0x2: {  	s1 =	sshll.u32 s0, $0x4  }
0x3: {  	s0 =	stileid.u32;
	s1 =	sand.u32 $0x10, s1  }
0x4: {  	s1 =	sor.u32 s0, s1  }
0x5: {  	s6 =	rddreg [dreg:$0x0];
	s4 =	simm.s32 $0x1;
	s2 =	sshll.u32 s1, $0x7  }
0x6: {  	s7 =	simm.s32 $0x2;
	s12 =	simm.s32 $0x0;
	s1 =	ssub.s32 $0x1000, s2  }
0x7: {  	s8 =	simm.s32 $0x8000;
	s13 =	simm.s32 $0x0;
	s3 =	sand.u32 $0xF80, s1  }
0x8: {  	s9 =	simm.s32 $0x0;
	s5 =	sshrl.u32 s1, $0xC;
	p0 =	sne.s32 s3, $0x0  }
.Ltmp0:
0x9: {  	s1 =	rddreg [dreg:$0x2];
	s4 =	simm.s32 @!p0 $0x0;
	(pc) =	sbr.rel .LBB1_1-.Ltmp0, $4  }
0xa: {  	s11 =	simm.s32 $0x0;
	s3 =	rddreg [dreg:$0x1];
	s5 =	sadd.s32 s4, s5  }
0xb: {  	_ =	strace $0x8000004A;
	s4 =	simm.s32 $0x1;
	s5 =	smul.u32 $0xC8, s5  }
0xc: {  	s6 =	sadd.s32 $0xA00, s6;
	s10 =	smov.u32 s2;
	[sflag:s4] =	ssyncpa.u1 $0x0  }
0xd: {  	p0 =	por $0x0, $0x0;
	[sflag:s7] =	ssyncpa.u1 $0x0;
	s7 =	sor.u32 $0x1, s5  }
.LBB1_4:
0xe: {  	s16 =	sshll.u32 s13, $0x3;
	s17 =	sand.u32 $0x78, s13  }
0xf: {  	s30 =	sand.u32 $0x7E00, s13;
	s12 =	sshll.u32 s12, $0xF;
	s16 =	sand.u32 $0xC00, s16  }
0x10: {  	[tilespmem:s15+$0x810 ss:$0x81] =	vst.msk $0xffff, v2;
	s31 =	sand.u32 $0x7, s13;
	s16 =	sor.u32 s17, s16;
	s17 =	sadd.s32 s3, s30  }
0x11: {  	[tilespmem:s15+$0x1020 ss:$0x81] =	vst.msk $0xffff, v0;
	s13 =	sshll.u32 s31, $0x12;
	s12 =	sadd.s32 s12, s17;
	s16 =	sshrl.u32 s16, $0x3  }
0x12: {  	[tilespmem:s15+$0x0 ss:$0x81] =	vst.msk $0xffff, v1;
	s13 =	sor.u32 $0x400, s13;
	s12 =	sadd.s32 s16, s12  }
0x13: {  	[hbm4b:s12+s13] =	stream.strided.scatter [tilespmem:s14], [sflag:$0x2], $0x2000, s8, s13, $0x20;
	[tilespmem:$0x8080] =	vst v63  }
.LBB1_5:
0x14: {  	s14 =	sadd.s32 $0x1, s9  }
0x15: {  	s12 =	sadd.s32 $0x1000, s10;
	s16 =	smov.u32 s10;
	p2 =	sgt.s32 s14, $0xC7  }
0x16: {  	s16 =	smov.u32 @p2 s12  }
0x17: {  	s14 =	simm.s32 @p2 $0x0;
	p2 =	sgt.s32 s16, $0xFFF  }
0x18: {  	s16 =	smov.u32 @p2 s2;
	p2 =	sne.s32 s11, s7  }
.Ltmp1:
0x19: {  	p1 =	slt.u32 s11, $0x2;
	(pc) =	sbr.rel @!p2 .LBB1_6-.Ltmp1, $4  }
0x1a: {  	s15 =	simm.s32 @!p1 $0x2  }
0x1b: {  	s13 =	smov.u32 s10;
	p0 =	por !p0, !p0;
	_ =	swait.ge @!p1 [sflag:s15], $0x2000  }
0x1c: {  	s12 =	smov.u32 s9;
	[sflag:s15] =	ssyncset.done @!p1 $0x0;
	s9 =	smov.u32 s14  }
0x1d: {  	s11 =	sadd.s32 $0x1, s11;
	[sflag:s15] =	ssyncadd.s32 @!p1 $0xFFFFE000;
	s10 =	smov.u32 s16  }
.LBB1_1:
0x1e: {  	p1 =	sge.u32 s11, s5  }
0x1f: {  	s14 =	sand.u32 @!p1 $0x1FFFFFF, s9  }
0x20: {  	s15 =	smulhi.u32 @!p1 $0x147AE15, s14;
	_ =	sdelay $0x1  }
0x21: {  	s15 =	smul.u32 @!p1 $0xC8, s15  }
0x22: {  	s16 =	sxor.u32 @!p1 $0xFFFFFFFF, s11;
	s17 =	smul.u32 @!p1 $0xC80, s10  }
0x23: {  	s31 =	sadd.s32 $0xFFFFFFFF, s11;
	s16 =	sshll.u32 @!p1 s16, $0xD;
	s14 =	ssub.s32 @!p1 s14, s15  }
0x24: {  	s15 =	sand.u32 @!p1 $0x2000, s16;
	s16 =	sadd.s32 @!p1 s6, s17;
	s14 =	sshll.u32 @!p1 s14, $0x4  }
0x25: {  	s17 =	simm.s32 @!p1 $0x6400;
	s14 =	sadd.s32 @!p1 s14, s16;
	s16 =	simm.s32 @!p1 $0x40  }
0x26: {  	[tilespmem:s15], [sflag:$0x1] =	stream.strided.gather @!p1 [hbm4b:s14+s16], $0x2000, s17, s16, $0x38;
	[tilespmem:$0x8080] =	vst v63  }
0x27: {  	p1 =	sge.u32 s31, s5  }
.Ltmp2:
0x28: {  	_ = 	snop;
	(pc) =	sbr.rel @p1 .LBB1_5-.Ltmp2, $1  }
0x29: {  	_ =	sdelay $0x3  }
0x2a: {  	s14 =	simm.s32 $0x1  }
0x2b: {  	_ =	swait.ge [sflag:s4], $0x2000;
	s14 =	simm.s32 @!p0 $0x0  }
0x2c: {  	[sflag:s4] =	ssyncset.done $0x0;
	s15 =	sshll.u32 s14, $0xD  }
0x2d: {  	[sflag:s4] =	ssyncadd.s32 $0xFFFFE000;
	s18 =	sor.u32 $0x20, s15  }
0x2e: {  	s14 =	smul.u32 $0x8100, s14;
	v3 =	vld [tilespmem:s18+$0x10]  }
0x2f: {  	s30 =	sand.u32 $0x1, s11;
	v2 =	vld [tilespmem:s18+$0xFFFFFFF0]  }
0x30: {  	s15 =	smul.u32 $0x8100, s30;
	s14 =	sshrl.u32 s14, $0x2;
	v0 =	vld [tilespmem:s18+$0x0]  }
0x31: {  	v1 =	vld [tilespmem:s18+$0xFFFFFFE0];
	s16 =	sor.u32 $0x4000, s14  }
0x32: {  	s31 =	sshrl.u32 s15, $0x2;
	s15 =	sadd.s32 $0x0, s16  }
0x33: {  	s17 =	simm.s32 $0x4;
	s18 =	sadd.s32 $0x40, s18;
	s14 =	sor.u32 $0x4000, s31;
	[tilespmem:s15+$0x1830 ss:$0x81] =	vst.msk $0xffff, v3  }
.LBB1_3:
0x34: {  	v3 =	vld [tilespmem:s18+$0x10];
	p1 =	sne.s32 s17, $0x1FC;
	[tilespmem:s15+$0x810 ss:$0x81] =	vst.msk $0xffff, v2;
	s19 =	smov.u32 s17;
	s17 =	sadd.s32 $0x4, s17  }
.Ltmp3:
0x35: {  	v2 =	vld [tilespmem:s18+$0xFFFFFFF0];
	[tilespmem:s15+$0x1020 ss:$0x81] =	vst.msk $0xffff, v0;
	(pc) =	sbr.rel @p1 .LBB1_3-.Ltmp3, $4  }
0x36: {  	v0 =	vld [tilespmem:s18+$0x0];
	[tilespmem:s15+$0x0 ss:$0x81] =	vst.msk $0xffff, v1  }
0x37: {  	s15 =	sshra.s32 s19, $0x2;
	v1 =	vld [tilespmem:s18+$0xFFFFFFE0]  }
0x38: {  	s15 =	sadd.s32 s15, s16  }
0x39: {  	s18 =	sadd.s32 $0x40, s18;
	[tilespmem:s15+$0x1830 ss:$0x81] =	vst.msk $0xffff, v3  }
.Ltmp4:
0x3a: {  	_ = 	snop;
	(pc) =	sbr.rel .LBB1_4-.Ltmp4, $1  }
0x3b: {  	_ =	sdelay $0x3  }
.LBB1_6:
0x3c: {  	_ =	sfence.sel $0x180000  }
0x3d: {  	s2 =	simm.s32 $0x1;
	[bflag:$0x0] =	sbarrier.arrive $0xFFFF  }
0x3e: {  	s31 =	simm.s32 $0x2;
	[sflag:s2] =	ssyncpa.u1 $0x1  }
0x3f: {  	[sflag:s31] =	ssyncpa.u1 $0x1  }
0x40: {  	p0 =	sne.s32 s0, $0x0;
	_ =	strace $0x9000004A  }
0x41: {  	s0 =	sadd.s32 @!p0 $0x100000, s1;
	[bflag:$0x2] =	sbarrier.arrive $0xFFFF  }
0x42: {  	[sflag:s0] =	ssyncadd.tile.s32 @!p0 $0x1;
	_ =	shalt  }
.Lfunc_end1:
_tile_overlayer_lowered:
.L_overlay_start_2:
0x43: {  	(tag) =	ssettag $0x2  }
0x44: {  	s0 =	rddreg [dreg:$0x0];
	s2 =	stileid.u32  }
0x45: {  	s1 =	rddreg [dreg:$0x1];
	p0 =	sne.s32 s2, $0x0  }
0x46: {  	s3 =	rddreg [dreg:$0x2];
	[bflag:$0x3] =	sbarrier.arrive $0xFFFF;
	s2 =	simm.s32 @!p0 $0x1C01  }
0x47: {  	[timem:s3], [sflag:s2] =	dma.local @!p0 [hbm:s0], s1  }
0x48: {  	s0 =	simm.s32 @!p0 $0x1  }
0x49: {  	_ =	swait.ge @!p0 [sflag:s0], s1  }
0x4a: {  	s1 =	ssub.s32 @!p0 $0x0, s1;
	[sflag:s0] =	ssyncset.done @!p0 $0x0  }
0x4b: {  	[sflag:s0] =	ssyncadd.s32 @!p0 s1  }
0x4c: {  	[bflag:$0x3] =	sbarrier.arrive $0xFFFF  }
0x4d: {  	_ =	shalt  }

</sc_bundles>
